<compile_context>
chip_gen: v7x
topology: tpu7x:2x2x1
jax: 0.10.2.dev20260603
libtpu: 0.0.44.dev20260713+nightly
codegen_flags: <defaults>
</compile_context>

<pallas_src>
import functools

import jax
import jax.numpy as jnp
from jax import lax
from jax.experimental import pallas as pl
from jax.experimental.pallas import tpu as pltpu
from jax.experimental.pallas import tpu_sc as plsc

NC = 2
NS = 16
NW = NC * NS
N_NODES = 10000
N_EDGES = 320000
D = 128
EPW = N_EDGES // NW
K = 125
CHUNKS = EPW // K
N_PAD = 10112
RPT = N_PAD // NS


def _sc_aggregate(x, ei):
  mesh = plsc.VectorSubcoreMesh(core_axis_name="c", subcore_axis_name="s")

  @functools.partial(
      pl.kernel,
      out_type=jax.ShapeDtypeStruct((NC, N_PAD, D), jnp.float32),
      mesh=mesh,
      scratch_types=[
          pltpu.VMEM_SHARED((N_PAD, D), jnp.float32),
          pltpu.VMEM((3, 2, K), jnp.int32),
          pltpu.VMEM((3, K, D), jnp.float32),
          pltpu.SemaphoreType.DMA,
          pltpu.SemaphoreType.DMA,
      ],
  )
  def body(x_hbm, ei_hbm, out_hbm, acc, idx3, rows, gsem, isem):
    c = lax.axis_index("c")
    s = lax.axis_index("s")
    wid = s * NC + c
    for p in range(3):
      pltpu.sync_copy(ei_hbm.at[wid, p], idx3.at[p])
    pltpu.async_copy(x_hbm.at[idx3.at[0, 0]], rows.at[0], gsem)
    pltpu.async_copy(x_hbm.at[idx3.at[1, 0]], rows.at[1], gsem)
    zero16 = jnp.zeros((16,), jnp.float32)

    def zstore(i, carry):
      rows[2, i // 8, pl.ds(lax.rem(i, 8) * 16, 16)] = zero16
      return carry

    lax.fori_loop(0, 64 * 8, zstore, 0)
    for j in range(9):
      pltpu.sync_copy(rows.at[2, pl.ds(0, 64)],
                      acc.at[pl.ds(s * RPT + j * 64, 64)])
    pltpu.sync_copy(rows.at[2, pl.ds(0, 56)],
                    acc.at[pl.ds(s * RPT + 576, 56)])
    plsc.subcore_barrier()

    def chunk(i, carry):
      b = lax.rem(i, 3)
      pltpu.make_async_copy(x_hbm.at[idx3.at[b, 0]], rows.at[b], gsem).wait()

      @pl.when(jnp.logical_and(i > 0, i + 2 < CHUNKS))
      def _():
        b2 = lax.rem(i + 2, 3)
        pltpu.make_async_copy(ei_hbm.at[wid, i + 2], idx3.at[b2], isem).wait()

      @pl.when(i + 2 < CHUNKS)
      def _():
        b2 = lax.rem(i + 2, 3)
        pltpu.async_copy(x_hbm.at[idx3.at[b2, 0]], rows.at[b2], gsem)

      pltpu.sync_copy(rows.at[b], acc.at[idx3.at[b, 1]], add=True)

      @pl.when(i + 3 < CHUNKS)
      def _():
        pltpu.async_copy(ei_hbm.at[wid, i + 3], idx3.at[b], isem)

      return carry

    lax.fori_loop(0, CHUNKS, chunk, 0)
    plsc.subcore_barrier()
    pltpu.sync_copy(acc.at[pl.ds(s * RPT, RPT)],
                    out_hbm.at[c, pl.ds(s * RPT, RPT)])

  return body(x, ei)


def _linear_body(a_ref, w_ref, b_ref, o_ref):
  z = a_ref[0] + a_ref[1]
  y = lax.dot_general(z, w_ref[...], (((1,), (0,)), ((), ())),
                      preferred_element_type=jnp.float32,
                      precision=lax.Precision.HIGHEST)
  o_ref[...] = jnp.maximum(y + b_ref[...], 0.0)


def _tc_linear(agg2, wt, b2):
  rb = 2000
  return pl.pallas_call(
      _linear_body,
      out_shape=jax.ShapeDtypeStruct((N_NODES, D), jnp.float32),
      grid=(N_NODES // rb,),
      in_specs=[
          pl.BlockSpec((NC, rb, D), lambda i: (0, i, 0)),
          pl.BlockSpec((D, D), lambda i: (0, 0)),
          pl.BlockSpec((1, D), lambda i: (0, 0)),
      ],
      out_specs=pl.BlockSpec((rb, D), lambda i: (i, 0)),
  )(agg2, wt, b2)


@jax.jit
def kernel(x, edge_index, W, b):
  ei = edge_index.astype(jnp.int32).reshape(2, NW, CHUNKS, K)
  ei = jnp.transpose(ei, (1, 2, 0, 3))
  agg2 = _sc_aggregate(x, ei)
  return _tc_linear(agg2, W.T, b.reshape(1, D))

# --- scband reference (transcript-rebuilt; emitter-appended) ---
"""Pipeline reference for scband-gcnlayer-57037165691114 (READ-ONLY COPY).

The authoritative reference and input builder live on the scoring server;
editing this copy changes nothing except your own understanding.
"""

import jax, jax.numpy as jnp
import numpy as np

N_NODES = 10000
N_EDGES = 320000
D_IN = 128
D_OUT = 128

def setup_inputs(seed: int = 0) -> dict:
    key = jax.random.key(seed)
    k1, k2, k3, k4 = jax.random.split(key, 4)
    x = jax.random.normal(k1, (N_NODES, D_IN), dtype=jnp.float32)
    edge_index = jax.random.randint(k2, (2, N_EDGES), 0, N_NODES, dtype=jnp.int64)
    # nn.Linear(in_dim, out_dim): weight [out, in], bias [out]
    bound = 1.0 / np.sqrt(D_IN)
    W = jax.random.uniform(k3, (D_OUT, D_IN), minval=-bound, maxval=bound, dtype=jnp.float32)
    b = jax.random.uniform(k4, (D_OUT,), minval=-bound, maxval=bound, dtype=jnp.float32)
    return {"x": x, "edge_index": edge_index, "W": W, "b": b}

def reference(x, edge_index, W, b):
    # DGL update_all(copy_src('feature','msg'), sum('msg','feature')):
    # gather source-node features along edges, scatter-add to destination nodes.
    src = edge_index[0]
    dst = edge_index[1]
    msgs = jnp.take(x, src, axis=0)                      # gather [E, D_IN]
    agg = jax.ops.segment_sum(msgs, dst, num_segments=N_NODES)  # scatter-add [N, D_IN]
    # Linear layer
    h = agg @ W.T + b
    # Dropout(p=0.5) is identity in eval mode; then ReLU activation
    h = jax.nn.relu(h)
    return h

if __name__ == "__main__":
    import jax
    _d = setup_inputs()
    print(jax.jit(kernel)(*tuple(_d.values())))

</pallas_src>

<mosaic_0001>
#map = affine_map<(d0, d1) -> (0, 0)>
#map1 = affine_map<(d0, d1) -> (0, 0, 0, 0)>
#map2 = affine_map<(d0, d1) -> (0, 0, 0)>
module attributes {stable_mosaic.version = 14 : i64} {
  func.func @body(%arg0: i32, %arg1: i32, %arg2: memref<10000x128xf32, #tpu.memory_space<hbm>>, %arg3: memref<32x80x2x125xi32, #tpu.memory_space<hbm>>, %arg4: memref<2x10112x128xf32, #tpu.memory_space<hbm>>, %arg5: memref<10112x128xf32, #tpu.memory_space<vmem_shared>>, %arg6: memref<3x2x125xi32, #tpu.memory_space<vmem>>, %arg7: memref<3x125x128xf32, #tpu.memory_space<vmem>>, %arg8: memref<!tpu.dma_semaphore, #tpu.memory_space<semaphore_mem>>, %arg9: memref<!tpu.dma_semaphore, #tpu.memory_space<semaphore_mem>>) attributes {dimension_semantics = [#tpu.dimension_semantics<core_parallel>, #tpu.dimension_semantics<subcore_parallel>], iteration_bounds = array<i64: 2, 16>, scalar_prefetch = 0 : i64, scratch_operands = 5 : i64, tpu.core_type = #tpu.core_type<sc_vector_subcore>, window_params = [{transform_indices = #map}, {transform_indices = #map1}, {transform_indices = #map2}]} {
    %mul3A = arith.constant 2 : i32
    %mul3A_0 = arith.muli %arg1, %mul3A : i32
    %add3A = arith.addi %mul3A_0, %arg0 : i32
    %run_scoped3A = arith.constant 0 : i32
    %run_scoped3A_1 = arith.constant 0 : i32
    "tpu.region"() ({
      %run_scoped3A_98 = tpu.sem_alloc : memref<!tpu.dma_semaphore, #tpu.memory_space<semaphore_mem>>
      %dma_start3A_99 = arith.constant 0 : i32
      %dma_start3A_100 = arith.constant 0 : i32
      %dma_start3A_101 = tpu.memref_slice %arg6[%run_scoped3A_1, %dma_start3A_99, %dma_start3A_100] : memref<3x2x125xi32, #tpu.memory_space<vmem>> -> memref<1x2x125xi32, #tpu.memory_space<vmem>>
      %dma_start3A_102 = tpu.memref_squeeze %dma_start3A_101 : memref<1x2x125xi32, #tpu.memory_space<vmem>> -> memref<2x125xi32, #tpu.memory_space<vmem>>
      %dma_start3A_103 = arith.constant 0 : i32
      %dma_start3A_104 = arith.constant 0 : i32
      %dma_start3A_105 = tpu.memref_slice %arg3[%add3A, %run_scoped3A, %dma_start3A_103, %dma_start3A_104] : memref<32x80x2x125xi32, #tpu.memory_space<hbm>> -> memref<1x1x2x125xi32, #tpu.memory_space<hbm>>
      %dma_start3A_106 = tpu.memref_squeeze %dma_start3A_105 : memref<1x1x2x125xi32, #tpu.memory_space<hbm>> -> memref<2x125xi32, #tpu.memory_space<hbm>>
      %dma_start3A_107 = arith.constant 0 : i32
      %dma_start3A_108 = arith.constant 0 : i32
      %dma_start3A_109 = tpu.memref_slice %arg6[%run_scoped3A_1, %dma_start3A_107, %dma_start3A_108] : memref<3x2x125xi32, #tpu.memory_space<vmem>> -> memref<1x2x125xi32, #tpu.memory_space<vmem>>
      %dma_start3A_110 = tpu.memref_squeeze %dma_start3A_109 : memref<1x2x125xi32, #tpu.memory_space<vmem>> -> memref<2x125xi32, #tpu.memory_space<vmem>>
      %dma_start3A_111 = arith.constant 0 : i32
      %dma_start3A_112 = arith.constant 0 : i32
      %dma_start3A_113 = tpu.memref_slice %arg3[%add3A, %run_scoped3A, %dma_start3A_111, %dma_start3A_112] : memref<32x80x2x125xi32, #tpu.memory_space<hbm>> -> memref<1x1x2x125xi32, #tpu.memory_space<hbm>>
      %dma_start3A_114 = tpu.memref_squeeze %dma_start3A_113 : memref<1x1x2x125xi32, #tpu.memory_space<hbm>> -> memref<2x125xi32, #tpu.memory_space<hbm>>
      tpu.enqueue_dma source(%dma_start3A_114 : memref<2x125xi32, #tpu.memory_space<hbm>>) target(%dma_start3A_110 : memref<2x125xi32, #tpu.memory_space<vmem>>) target_semaphore(%run_scoped3A_98 : memref<!tpu.dma_semaphore, #tpu.memory_space<semaphore_mem>>)
      %dma_wait3A = arith.constant 0 : i32
      %dma_wait3A_115 = arith.constant 0 : i32
      %dma_wait3A_116 = tpu.memref_slice %arg6[%run_scoped3A_1, %dma_wait3A, %dma_wait3A_115] : memref<3x2x125xi32, #tpu.memory_space<vmem>> -> memref<1x2x125xi32, #tpu.memory_space<vmem>>
      %dma_wait3A_117 = tpu.memref_squeeze %dma_wait3A_116 : memref<1x2x125xi32, #tpu.memory_space<vmem>> -> memref<2x125xi32, #tpu.memory_space<vmem>>
      %dma_wait3A_118 = arith.constant 0 : i32
      %dma_wait3A_119 = arith.constant 0 : i32
      %dma_wait3A_120 = tpu.memref_slice %arg3[%add3A, %run_scoped3A, %dma_wait3A_118, %dma_wait3A_119] : memref<32x80x2x125xi32, #tpu.memory_space<hbm>> -> memref<1x1x2x125xi32, #tpu.memory_space<hbm>>
      %dma_wait3A_121 = tpu.memref_squeeze %dma_wait3A_120 : memref<1x1x2x125xi32, #tpu.memory_space<hbm>> -> memref<2x125xi32, #tpu.memory_space<hbm>>
      %dma_wait3A_122 = arith.constant 0 : i32
      %dma_wait3A_123 = arith.constant 0 : i32
      %dma_wait3A_124 = tpu.memref_slice %arg6[%run_scoped3A_1, %dma_wait3A_122, %dma_wait3A_123] : memref<3x2x125xi32, #tpu.memory_space<vmem>> -> memref<1x2x125xi32, #tpu.memory_space<vmem>>
      %dma_wait3A_125 = tpu.memref_squeeze %dma_wait3A_124 : memref<1x2x125xi32, #tpu.memory_space<vmem>> -> memref<2x125xi32, #tpu.memory_space<vmem>>
      %dma_wait3A_126 = arith.constant 0 : i32
      %dma_wait3A_127 = arith.constant 0 : i32
      %dma_wait3A_128 = tpu.memref_slice %arg3[%add3A, %run_scoped3A, %dma_wait3A_126, %dma_wait3A_127] : memref<32x80x2x125xi32, #tpu.memory_space<hbm>> -> memref<1x1x2x125xi32, #tpu.memory_space<hbm>>
      %dma_wait3A_129 = tpu.memref_squeeze %dma_wait3A_128 : memref<1x1x2x125xi32, #tpu.memory_space<hbm>> -> memref<2x125xi32, #tpu.memory_space<hbm>>
      tpu.wait_dma2 semaphore(%run_scoped3A_98 : memref<!tpu.dma_semaphore, #tpu.memory_space<semaphore_mem>>) src(%dma_wait3A_129 : memref<2x125xi32, #tpu.memory_space<hbm>>) dst(%dma_wait3A_125 : memref<2x125xi32, #tpu.memory_space<vmem>>)
      tpu.yield
    }) : () -> ()
    %run_scoped3A_2 = arith.constant 1 : i32
    %run_scoped3A_3 = arith.constant 1 : i32
    "tpu.region"() ({
      %run_scoped3A_98 = tpu.sem_alloc : memref<!tpu.dma_semaphore, #tpu.memory_space<semaphore_mem>>
      %dma_start3A_99 = arith.constant 0 : i32
      %dma_start3A_100 = arith.constant 0 : i32
      %dma_start3A_101 = tpu.memref_slice %arg6[%run_scoped3A_3, %dma_start3A_99, %dma_start3A_100] : memref<3x2x125xi32, #tpu.memory_space<vmem>> -> memref<1x2x125xi32, #tpu.memory_space<vmem>>
      %dma_start3A_102 = tpu.memref_squeeze %dma_start3A_101 : memref<1x2x125xi32, #tpu.memory_space<vmem>> -> memref<2x125xi32, #tpu.memory_space<vmem>>
      %dma_start3A_103 = arith.constant 0 : i32
      %dma_start3A_104 = arith.constant 0 : i32
      %dma_start3A_105 = tpu.memref_slice %arg3[%add3A, %run_scoped3A_2, %dma_start3A_103, %dma_start3A_104] : memref<32x80x2x125xi32, #tpu.memory_space<hbm>> -> memref<1x1x2x125xi32, #tpu.memory_space<hbm>>
      %dma_start3A_106 = tpu.memref_squeeze %dma_start3A_105 : memref<1x1x2x125xi32, #tpu.memory_space<hbm>> -> memref<2x125xi32, #tpu.memory_space<hbm>>
      %dma_start3A_107 = arith.constant 0 : i32
      %dma_start3A_108 = arith.constant 0 : i32
      %dma_start3A_109 = tpu.memref_slice %arg6[%run_scoped3A_3, %dma_start3A_107, %dma_start3A_108] : memref<3x2x125xi32, #tpu.memory_space<vmem>> -> memref<1x2x125xi32, #tpu.memory_space<vmem>>
      %dma_start3A_110 = tpu.memref_squeeze %dma_start3A_109 : memref<1x2x125xi32, #tpu.memory_space<vmem>> -> memref<2x125xi32, #tpu.memory_space<vmem>>
      %dma_start3A_111 = arith.constant 0 : i32
      %dma_start3A_112 = arith.constant 0 : i32
      %dma_start3A_113 = tpu.memref_slice %arg3[%add3A, %run_scoped3A_2, %dma_start3A_111, %dma_start3A_112] : memref<32x80x2x125xi32, #tpu.memory_space<hbm>> -> memref<1x1x2x125xi32, #tpu.memory_space<hbm>>
      %dma_start3A_114 = tpu.memref_squeeze %dma_start3A_113 : memref<1x1x2x125xi32, #tpu.memory_space<hbm>> -> memref<2x125xi32, #tpu.memory_space<hbm>>
      tpu.enqueue_dma source(%dma_start3A_114 : memref<2x125xi32, #tpu.memory_space<hbm>>) target(%dma_start3A_110 : memref<2x125xi32, #tpu.memory_space<vmem>>) target_semaphore(%run_scoped3A_98 : memref<!tpu.dma_semaphore, #tpu.memory_space<semaphore_mem>>)
      %dma_wait3A = arith.constant 0 : i32
      %dma_wait3A_115 = arith.constant 0 : i32
      %dma_wait3A_116 = tpu.memref_slice %arg6[%run_scoped3A_3, %dma_wait3A, %dma_wait3A_115] : memref<3x2x125xi32, #tpu.memory_space<vmem>> -> memref<1x2x125xi32, #tpu.memory_space<vmem>>
      %dma_wait3A_117 = tpu.memref_squeeze %dma_wait3A_116 : memref<1x2x125xi32, #tpu.memory_space<vmem>> -> memref<2x125xi32, #tpu.memory_space<vmem>>
      %dma_wait3A_118 = arith.constant 0 : i32
      %dma_wait3A_119 = arith.constant 0 : i32
      %dma_wait3A_120 = tpu.memref_slice %arg3[%add3A, %run_scoped3A_2, %dma_wait3A_118, %dma_wait3A_119] : memref<32x80x2x125xi32, #tpu.memory_space<hbm>> -> memref<1x1x2x125xi32, #tpu.memory_space<hbm>>
      %dma_wait3A_121 = tpu.memref_squeeze %dma_wait3A_120 : memref<1x1x2x125xi32, #tpu.memory_space<hbm>> -> memref<2x125xi32, #tpu.memory_space<hbm>>
      %dma_wait3A_122 = arith.constant 0 : i32
      %dma_wait3A_123 = arith.constant 0 : i32
      %dma_wait3A_124 = tpu.memref_slice %arg6[%run_scoped3A_3, %dma_wait3A_122, %dma_wait3A_123] : memref<3x2x125xi32, #tpu.memory_space<vmem>> -> memref<1x2x125xi32, #tpu.memory_space<vmem>>
      %dma_wait3A_125 = tpu.memref_squeeze %dma_wait3A_124 : memref<1x2x125xi32, #tpu.memory_space<vmem>> -> memref<2x125xi32, #tpu.memory_space<vmem>>
      %dma_wait3A_126 = arith.constant 0 : i32
      %dma_wait3A_127 = arith.constant 0 : i32
      %dma_wait3A_128 = tpu.memref_slice %arg3[%add3A, %run_scoped3A_2, %dma_wait3A_126, %dma_wait3A_127] : memref<32x80x2x125xi32, #tpu.memory_space<hbm>> -> memref<1x1x2x125xi32, #tpu.memory_space<hbm>>
      %dma_wait3A_129 = tpu.memref_squeeze %dma_wait3A_128 : memref<1x1x2x125xi32, #tpu.memory_space<hbm>> -> memref<2x125xi32, #tpu.memory_space<hbm>>
      tpu.wait_dma2 semaphore(%run_scoped3A_98 : memref<!tpu.dma_semaphore, #tpu.memory_space<semaphore_mem>>) src(%dma_wait3A_129 : memref<2x125xi32, #tpu.memory_space<hbm>>) dst(%dma_wait3A_125 : memref<2x125xi32, #tpu.memory_space<vmem>>)
      tpu.yield
    }) : () -> ()
    %run_scoped3A_4 = arith.constant 2 : i32
    %run_scoped3A_5 = arith.constant 2 : i32
    "tpu.region"() ({
      %run_scoped3A_98 = tpu.sem_alloc : memref<!tpu.dma_semaphore, #tpu.memory_space<semaphore_mem>>
      %dma_start3A_99 = arith.constant 0 : i32
      %dma_start3A_100 = arith.constant 0 : i32
      %dma_start3A_101 = tpu.memref_slice %arg6[%run_scoped3A_5, %dma_start3A_99, %dma_start3A_100] : memref<3x2x125xi32, #tpu.memory_space<vmem>> -> memref<1x2x125xi32, #tpu.memory_space<vmem>>
      %dma_start3A_102 = tpu.memref_squeeze %dma_start3A_101 : memref<1x2x125xi32, #tpu.memory_space<vmem>> -> memref<2x125xi32, #tpu.memory_space<vmem>>
      %dma_start3A_103 = arith.constant 0 : i32
      %dma_start3A_104 = arith.constant 0 : i32
      %dma_start3A_105 = tpu.memref_slice %arg3[%add3A, %run_scoped3A_4, %dma_start3A_103, %dma_start3A_104] : memref<32x80x2x125xi32, #tpu.memory_space<hbm>> -> memref<1x1x2x125xi32, #tpu.memory_space<hbm>>
      %dma_start3A_106 = tpu.memref_squeeze %dma_start3A_105 : memref<1x1x2x125xi32, #tpu.memory_space<hbm>> -> memref<2x125xi32, #tpu.memory_space<hbm>>
      %dma_start3A_107 = arith.constant 0 : i32
      %dma_start3A_108 = arith.constant 0 : i32
      %dma_start3A_109 = tpu.memref_slice %arg6[%run_scoped3A_5, %dma_start3A_107, %dma_start3A_108] : memref<3x2x125xi32, #tpu.memory_space<vmem>> -> memref<1x2x125xi32, #tpu.memory_space<vmem>>
      %dma_start3A_110 = tpu.memref_squeeze %dma_start3A_109 : memref<1x2x125xi32, #tpu.memory_space<vmem>> -> memref<2x125xi32, #tpu.memory_space<vmem>>
      %dma_start3A_111 = arith.constant 0 : i32
      %dma_start3A_112 = arith.constant 0 : i32
      %dma_start3A_113 = tpu.memref_slice %arg3[%add3A, %run_scoped3A_4, %dma_start3A_111, %dma_start3A_112] : memref<32x80x2x125xi32, #tpu.memory_space<hbm>> -> memref<1x1x2x125xi32, #tpu.memory_space<hbm>>
      %dma_start3A_114 = tpu.memref_squeeze %dma_start3A_113 : memref<1x1x2x125xi32, #tpu.memory_space<hbm>> -> memref<2x125xi32, #tpu.memory_space<hbm>>
      tpu.enqueue_dma source(%dma_start3A_114 : memref<2x125xi32, #tpu.memory_space<hbm>>) target(%dma_start3A_110 : memref<2x125xi32, #tpu.memory_space<vmem>>) target_semaphore(%run_scoped3A_98 : memref<!tpu.dma_semaphore, #tpu.memory_space<semaphore_mem>>)
      %dma_wait3A = arith.constant 0 : i32
      %dma_wait3A_115 = arith.constant 0 : i32
      %dma_wait3A_116 = tpu.memref_slice %arg6[%run_scoped3A_5, %dma_wait3A, %dma_wait3A_115] : memref<3x2x125xi32, #tpu.memory_space<vmem>> -> memref<1x2x125xi32, #tpu.memory_space<vmem>>
      %dma_wait3A_117 = tpu.memref_squeeze %dma_wait3A_116 : memref<1x2x125xi32, #tpu.memory_space<vmem>> -> memref<2x125xi32, #tpu.memory_space<vmem>>
      %dma_wait3A_118 = arith.constant 0 : i32
      %dma_wait3A_119 = arith.constant 0 : i32
      %dma_wait3A_120 = tpu.memref_slice %arg3[%add3A, %run_scoped3A_4, %dma_wait3A_118, %dma_wait3A_119] : memref<32x80x2x125xi32, #tpu.memory_space<hbm>> -> memref<1x1x2x125xi32, #tpu.memory_space<hbm>>
      %dma_wait3A_121 = tpu.memref_squeeze %dma_wait3A_120 : memref<1x1x2x125xi32, #tpu.memory_space<hbm>> -> memref<2x125xi32, #tpu.memory_space<hbm>>
      %dma_wait3A_122 = arith.constant 0 : i32
      %dma_wait3A_123 = arith.constant 0 : i32
      %dma_wait3A_124 = tpu.memref_slice %arg6[%run_scoped3A_5, %dma_wait3A_122, %dma_wait3A_123] : memref<3x2x125xi32, #tpu.memory_space<vmem>> -> memref<1x2x125xi32, #tpu.memory_space<vmem>>
      %dma_wait3A_125 = tpu.memref_squeeze %dma_wait3A_124 : memref<1x2x125xi32, #tpu.memory_space<vmem>> -> memref<2x125xi32, #tpu.memory_space<vmem>>
      %dma_wait3A_126 = arith.constant 0 : i32
      %dma_wait3A_127 = arith.constant 0 : i32
      %dma_wait3A_128 = tpu.memref_slice %arg3[%add3A, %run_scoped3A_4, %dma_wait3A_126, %dma_wait3A_127] : memref<32x80x2x125xi32, #tpu.memory_space<hbm>> -> memref<1x1x2x125xi32, #tpu.memory_space<hbm>>
      %dma_wait3A_129 = tpu.memref_squeeze %dma_wait3A_128 : memref<1x1x2x125xi32, #tpu.memory_space<hbm>> -> memref<2x125xi32, #tpu.memory_space<hbm>>
      tpu.wait_dma2 semaphore(%run_scoped3A_98 : memref<!tpu.dma_semaphore, #tpu.memory_space<semaphore_mem>>) src(%dma_wait3A_129 : memref<2x125xi32, #tpu.memory_space<hbm>>) dst(%dma_wait3A_125 : memref<2x125xi32, #tpu.memory_space<vmem>>)
      tpu.yield
    }) : () -> ()
    %dma_start3A = arith.constant 0 : i32
    %dma_start3A_6 = arith.constant 0 : i32
    %dma_start3A_7 = arith.constant 0 : i32
    %dma_start3A_8 = arith.constant 0 : i32
    %dma_start3A_9 = arith.constant 0 : i32
    %dma_start3A_10 = tpu.memref_slice %arg7[%dma_start3A_7, %dma_start3A_8, %dma_start3A_9] : memref<3x125x128xf32, #tpu.memory_space<vmem>> -> memref<1x125x128xf32, #tpu.memory_space<vmem>>
    %dma_start3A_11 = tpu.memref_squeeze %dma_start3A_10 : memref<1x125x128xf32, #tpu.memory_space<vmem>> -> memref<125x128xf32, #tpu.memory_space<vmem>>
    %dma_start3A_12 = arith.constant 0 : i32
    %dma_start3A_13 = tpu.memref_slice %arg6[%dma_start3A, %dma_start3A_6, %dma_start3A_12] : memref<3x2x125xi32, #tpu.memory_space<vmem>> -> memref<1x1x125xi32, #tpu.memory_space<vmem>>
    %dma_start3A_14 = tpu.memref_squeeze %dma_start3A_13 : memref<1x1x125xi32, #tpu.memory_space<vmem>> -> memref<125xi32, #tpu.memory_space<vmem>>
    %dma_start3A_15 = arith.constant 0 : i32
    %dma_start3A_16 = arith.constant 0 : i32
    %dma_start3A_17 = tpu.memref_slice %arg2[%dma_start3A_15, %dma_start3A_16] : memref<10000x128xf32, #tpu.memory_space<hbm>> -> memref<10000x128xf32, #tpu.memory_space<hbm>>
    tpu.enqueue_indirect_dma source(%dma_start3A_17 : memref<10000x128xf32, #tpu.memory_space<hbm>>) target(%dma_start3A_11 : memref<125x128xf32, #tpu.memory_space<vmem>>) offsets(%dma_start3A_14 : memref<125xi32, #tpu.memory_space<vmem>>) semaphore(%arg8 : memref<!tpu.dma_semaphore, #tpu.memory_space<semaphore_mem>>)
    %dma_start3A_18 = arith.constant 1 : i32
    %dma_start3A_19 = arith.constant 0 : i32
    %dma_start3A_20 = arith.constant 1 : i32
    %dma_start3A_21 = arith.constant 0 : i32
    %dma_start3A_22 = arith.constant 0 : i32
    %dma_start3A_23 = tpu.memref_slice %arg7[%dma_start3A_20, %dma_start3A_21, %dma_start3A_22] : memref<3x125x128xf32, #tpu.memory_space<vmem>> -> memref<1x125x128xf32, #tpu.memory_space<vmem>>
    %dma_start3A_24 = tpu.memref_squeeze %dma_start3A_23 : memref<1x125x128xf32, #tpu.memory_space<vmem>> -> memref<125x128xf32, #tpu.memory_space<vmem>>
    %dma_start3A_25 = arith.constant 0 : i32
    %dma_start3A_26 = tpu.memref_slice %arg6[%dma_start3A_18, %dma_start3A_19, %dma_start3A_25] : memref<3x2x125xi32, #tpu.memory_space<vmem>> -> memref<1x1x125xi32, #tpu.memory_space<vmem>>
    %dma_start3A_27 = tpu.memref_squeeze %dma_start3A_26 : memref<1x1x125xi32, #tpu.memory_space<vmem>> -> memref<125xi32, #tpu.memory_space<vmem>>
    %dma_start3A_28 = arith.constant 0 : i32
    %dma_start3A_29 = arith.constant 0 : i32
    %dma_start3A_30 = tpu.memref_slice %arg2[%dma_start3A_28, %dma_start3A_29] : memref<10000x128xf32, #tpu.memory_space<hbm>> -> memref<10000x128xf32, #tpu.memory_space<hbm>>
    tpu.enqueue_indirect_dma source(%dma_start3A_30 : memref<10000x128xf32, #tpu.memory_space<hbm>>) target(%dma_start3A_24 : memref<125x128xf32, #tpu.memory_space<vmem>>) offsets(%dma_start3A_27 : memref<125xi32, #tpu.memory_space<vmem>>) semaphore(%arg8 : memref<!tpu.dma_semaphore, #tpu.memory_space<semaphore_mem>>)
    %broadcast_in_dim3A = arith.constant 0.000000e+00 : f32
    %broadcast_in_dim3A_31 = vector.broadcast %broadcast_in_dim3A : f32 to vector<16xf32>
    %scan3A = arith.constant 0 : i32
    %scan3A_32 = arith.constant 0 : i32
    %scan3A_33 = arith.constant 512 : i32
    %scan3A_34 = arith.addi %scan3A_32, %scan3A_33 : i32
    %scan3A_35 = arith.constant 1 : i32
    scf.for %scan3A_98 = %scan3A_32 to %scan3A_34 step %scan3A_35  : i32 {
      %jit3A = arith.constant 8 : i32
      %div3A = arith.divsi %scan3A_98, %jit3A : i32
      %sign3A = arith.constant 0 : i32
      %sign3A_99 = arith.cmpi sgt, %scan3A_98, %sign3A : i32
      %sign3A_100 = arith.extui %sign3A_99 : i1 to i32
      %sign3A_101 = arith.constant 0 : i32
      %sign3A_102 = arith.cmpi slt, %scan3A_98, %sign3A_101 : i32
      %sign3A_103 = arith.extui %sign3A_102 : i1 to i32
      %sign3A_104 = arith.subi %sign3A_100, %sign3A_103 : i32
      %sign3A_105 = arith.constant 0 : i32
      %sign3A_106 = arith.cmpi sgt, %jit3A, %sign3A_105 : i32
      %sign3A_107 = arith.extui %sign3A_106 : i1 to i32
      %sign3A_108 = arith.constant 0 : i32
      %sign3A_109 = arith.cmpi slt, %jit3A, %sign3A_108 : i32
      %sign3A_110 = arith.extui %sign3A_109 : i1 to i32
      %sign3A_111 = arith.subi %sign3A_107, %sign3A_110 : i32
      %ne3A = arith.cmpi ne, %sign3A_104, %sign3A_111 : i32
      %rem3A = arith.remsi %scan3A_98, %jit3A : i32
      %ne3A_112 = arith.constant 0 : i32
      %ne3A_113 = arith.cmpi ne, %rem3A, %ne3A_112 : i32
      %and3A = arith.andi %ne3A, %ne3A_113 : i1
      %sub3A = arith.constant 1 : i32
      %sub3A_114 = arith.subi %div3A, %sub3A : i32
      %select_n3A = arith.select %and3A, %sub3A_114, %div3A : i32
      %rem3A_115 = arith.constant 8 : i32
      %rem3A_116 = arith.remsi %scan3A_98, %rem3A_115 : i32
      %mul3A_117 = arith.constant 16 : i32
      %mul3A_118 = arith.muli %rem3A_116, %mul3A_117 : i32
      %swap3A = arith.constant 2 : i32
      %swap3A_119 = arith.index_cast %swap3A : i32 to index
      %swap3A_120 = arith.index_cast %select_n3A : i32 to index
      %swap3A_121 = arith.index_cast %mul3A_118 : i32 to index
      %swap3A_122 = tpu.vector_load %arg7[%swap3A_119, %swap3A_120, %swap3A_121] {strides = array<i32>} : memref<3x125x128xf32, #tpu.memory_space<vmem>>, vector<1x1x16xf32>,
      %swap3A_123 = vector.shape_cast %swap3A_122 : vector<1x1x16xf32> to vector<16xf32>
      %swap3A_124 = vector.shape_cast %broadcast_in_dim3A_31 : vector<16xf32> to vector<1x1x16xf32>
      tpu.vector_store %arg7[%swap3A_119, %swap3A_120, %swap3A_121], %swap3A_124 {strides = array<i32>} : memref<3x125x128xf32, #tpu.memory_space<vmem>>, vector<1x1x16xf32>,
    }
    %scan3A_36 = arith.constant 512 : i32
    %mul3A_37 = arith.constant 632 : i32
    %mul3A_38 = arith.muli %arg1, %mul3A_37 : i32
    %add3A_39 = arith.constant 0 : i32
    %add3A_40 = arith.addi %mul3A_38, %add3A_39 : i32
    %run_scoped3A_41 = arith.constant 2 : i32
    "tpu.region"() ({
      %run_scoped3A_98 = tpu.sem_alloc : memref<!tpu.dma_semaphore, #tpu.memory_space<semaphore_mem>>
      %dma_start3A_99 = arith.constant 0 : i32
      %dma_start3A_100 = arith.constant 0 : i32
      %dma_start3A_101 = tpu.memref_slice %arg7[%run_scoped3A_41, %dma_start3A_99, %dma_start3A_100] : memref<3x125x128xf32, #tpu.memory_space<vmem>> -> memref<1x64x128xf32, #tpu.memory_space<vmem>>
      %dma_start3A_102 = tpu.memref_squeeze %dma_start3A_101 : memref<1x64x128xf32, #tpu.memory_space<vmem>> -> memref<64x128xf32, #tpu.memory_space<vmem>>
      %dma_start3A_103 = arith.constant 0 : i32
      %dma_start3A_104 = tpu.memref_slice %arg5[%add3A_40, %dma_start3A_103] : memref<10112x128xf32, #tpu.memory_space<vmem_shared>> -> memref<64x128xf32, #tpu.memory_space<vmem_shared>>
      %dma_start3A_105 = arith.constant 0 : i32
      %dma_start3A_106 = tpu.memref_slice %arg5[%add3A_40, %dma_start3A_105] : memref<10112x128xf32, #tpu.memory_space<vmem_shared>> -> memref<64x128xf32, #tpu.memory_space<vmem_shared>>
      %dma_start3A_107 = arith.constant 0 : i32
      %dma_start3A_108 = arith.constant 0 : i32
      %dma_start3A_109 = tpu.memref_slice %arg7[%run_scoped3A_41, %dma_start3A_107, %dma_start3A_108] : memref<3x125x128xf32, #tpu.memory_space<vmem>> -> memref<1x64x128xf32, #tpu.memory_space<vmem>>
      %dma_start3A_110 = tpu.memref_squeeze %dma_start3A_109 : memref<1x64x128xf32, #tpu.memory_space<vmem>> -> memref<64x128xf32, #tpu.memory_space<vmem>>
      tpu.enqueue_dma source(%dma_start3A_110 : memref<64x128xf32, #tpu.memory_space<vmem>>) target(%dma_start3A_106 : memref<64x128xf32, #tpu.memory_space<vmem_shared>>) target_semaphore(%run_scoped3A_98 : memref<!tpu.dma_semaphore, #tpu.memory_space<semaphore_mem>>)
      %dma_wait3A = arith.constant 0 : i32
      %dma_wait3A_111 = arith.constant 0 : i32
      %dma_wait3A_112 = tpu.memref_slice %arg7[%run_scoped3A_41, %dma_wait3A, %dma_wait3A_111] : memref<3x125x128xf32, #tpu.memory_space<vmem>> -> memref<1x64x128xf32, #tpu.memory_space<vmem>>
      %dma_wait3A_113 = tpu.memref_squeeze %dma_wait3A_112 : memref<1x64x128xf32, #tpu.memory_space<vmem>> -> memref<64x128xf32, #tpu.memory_space<vmem>>
      %dma_wait3A_114 = arith.constant 0 : i32
      %dma_wait3A_115 = tpu.memref_slice %arg5[%add3A_40, %dma_wait3A_114] : memref<10112x128xf32, #tpu.memory_space<vmem_shared>> -> memref<64x128xf32, #tpu.memory_space<vmem_shared>>
      %dma_wait3A_116 = arith.constant 0 : i32
      %dma_wait3A_117 = tpu.memref_slice %arg5[%add3A_40, %dma_wait3A_116] : memref<10112x128xf32, #tpu.memory_space<vmem_shared>> -> memref<64x128xf32, #tpu.memory_space<vmem_shared>>
      %dma_wait3A_118 = arith.constant 0 : i32
      %dma_wait3A_119 = arith.constant 0 : i32
      %dma_wait3A_120 = tpu.memref_slice %arg7[%run_scoped3A_41, %dma_wait3A_118, %dma_wait3A_119] : memref<3x125x128xf32, #tpu.memory_space<vmem>> -> memref<1x64x128xf32, #tpu.memory_space<vmem>>
      %dma_wait3A_121 = tpu.memref_squeeze %dma_wait3A_120 : memref<1x64x128xf32, #tpu.memory_space<vmem>> -> memref<64x128xf32, #tpu.memory_space<vmem>>
      tpu.wait_dma2 semaphore(%run_scoped3A_98 : memref<!tpu.dma_semaphore, #tpu.memory_space<semaphore_mem>>) src(%dma_wait3A_121 : memref<64x128xf32, #tpu.memory_space<vmem>>) dst(%dma_wait3A_117 : memref<64x128xf32, #tpu.memory_space<vmem_shared>>)
      tpu.yield
    }) : () -> ()
    %mul3A_42 = arith.constant 632 : i32
    %mul3A_43 = arith.muli %arg1, %mul3A_42 : i32
    %add3A_44 = arith.constant 64 : i32
    %add3A_45 = arith.addi %mul3A_43, %add3A_44 : i32
    %run_scoped3A_46 = arith.constant 2 : i32
    "tpu.region"() ({
      %run_scoped3A_98 = tpu.sem_alloc : memref<!tpu.dma_semaphore, #tpu.memory_space<semaphore_mem>>
      %dma_start3A_99 = arith.constant 0 : i32
      %dma_start3A_100 = arith.constant 0 : i32
      %dma_start3A_101 = tpu.memref_slice %arg7[%run_scoped3A_46, %dma_start3A_99, %dma_start3A_100] : memref<3x125x128xf32, #tpu.memory_space<vmem>> -> memref<1x64x128xf32, #tpu.memory_space<vmem>>
      %dma_start3A_102 = tpu.memref_squeeze %dma_start3A_101 : memref<1x64x128xf32, #tpu.memory_space<vmem>> -> memref<64x128xf32, #tpu.memory_space<vmem>>
      %dma_start3A_103 = arith.constant 0 : i32
      %dma_start3A_104 = tpu.memref_slice %arg5[%add3A_45, %dma_start3A_103] : memref<10112x128xf32, #tpu.memory_space<vmem_shared>> -> memref<64x128xf32, #tpu.memory_space<vmem_shared>>
      %dma_start3A_105 = arith.constant 0 : i32
      %dma_start3A_106 = tpu.memref_slice %arg5[%add3A_45, %dma_start3A_105] : memref<10112x128xf32, #tpu.memory_space<vmem_shared>> -> memref<64x128xf32, #tpu.memory_space<vmem_shared>>
      %dma_start3A_107 = arith.constant 0 : i32
      %dma_start3A_108 = arith.constant 0 : i32
      %dma_start3A_109 = tpu.memref_slice %arg7[%run_scoped3A_46, %dma_start3A_107, %dma_start3A_108] : memref<3x125x128xf32, #tpu.memory_space<vmem>> -> memref<1x64x128xf32, #tpu.memory_space<vmem>>
      %dma_start3A_110 = tpu.memref_squeeze %dma_start3A_109 : memref<1x64x128xf32, #tpu.memory_space<vmem>> -> memref<64x128xf32, #tpu.memory_space<vmem>>
      tpu.enqueue_dma source(%dma_start3A_110 : memref<64x128xf32, #tpu.memory_space<vmem>>) target(%dma_start3A_106 : memref<64x128xf32, #tpu.memory_space<vmem_shared>>) target_semaphore(%run_scoped3A_98 : memref<!tpu.dma_semaphore, #tpu.memory_space<semaphore_mem>>)
      %dma_wait3A = arith.constant 0 : i32
      %dma_wait3A_111 = arith.constant 0 : i32
      %dma_wait3A_112 = tpu.memref_slice %arg7[%run_scoped3A_46, %dma_wait3A, %dma_wait3A_111] : memref<3x125x128xf32, #tpu.memory_space<vmem>> -> memref<1x64x128xf32, #tpu.memory_space<vmem>>
      %dma_wait3A_113 = tpu.memref_squeeze %dma_wait3A_112 : memref<1x64x128xf32, #tpu.memory_space<vmem>> -> memref<64x128xf32, #tpu.memory_space<vmem>>
      %dma_wait3A_114 = arith.constant 0 : i32
      %dma_wait3A_115 = tpu.memref_slice %arg5[%add3A_45, %dma_wait3A_114] : memref<10112x128xf32, #tpu.memory_space<vmem_shared>> -> memref<64x128xf32, #tpu.memory_space<vmem_shared>>
      %dma_wait3A_116 = arith.constant 0 : i32
      %dma_wait3A_117 = tpu.memref_slice %arg5[%add3A_45, %dma_wait3A_116] : memref<10112x128xf32, #tpu.memory_space<vmem_shared>> -> memref<64x128xf32, #tpu.memory_space<vmem_shared>>
      %dma_wait3A_118 = arith.constant 0 : i32
      %dma_wait3A_119 = arith.constant 0 : i32
      %dma_wait3A_120 = tpu.memref_slice %arg7[%run_scoped3A_46, %dma_wait3A_118, %dma_wait3A_119] : memref<3x125x128xf32, #tpu.memory_space<vmem>> -> memref<1x64x128xf32, #tpu.memory_space<vmem>>
      %dma_wait3A_121 = tpu.memref_squeeze %dma_wait3A_120 : memref<1x64x128xf32, #tpu.memory_space<vmem>> -> memref<64x128xf32, #tpu.memory_space<vmem>>
      tpu.wait_dma2 semaphore(%run_scoped3A_98 : memref<!tpu.dma_semaphore, #tpu.memory_space<semaphore_mem>>) src(%dma_wait3A_121 : memref<64x128xf32, #tpu.memory_space<vmem>>) dst(%dma_wait3A_117 : memref<64x128xf32, #tpu.memory_space<vmem_shared>>)
      tpu.yield
    }) : () -> ()
    %mul3A_47 = arith.constant 632 : i32
    %mul3A_48 = arith.muli %arg1, %mul3A_47 : i32
    %add3A_49 = arith.constant 128 : i32
    %add3A_50 = arith.addi %mul3A_48, %add3A_49 : i32
    %run_scoped3A_51 = arith.constant 2 : i32
    "tpu.region"() ({
      %run_scoped3A_98 = tpu.sem_alloc : memref<!tpu.dma_semaphore, #tpu.memory_space<semaphore_mem>>
      %dma_start3A_99 = arith.constant 0 : i32
      %dma_start3A_100 = arith.constant 0 : i32
      %dma_start3A_101 = tpu.memref_slice %arg7[%run_scoped3A_51, %dma_start3A_99, %dma_start3A_100] : memref<3x125x128xf32, #tpu.memory_space<vmem>> -> memref<1x64x128xf32, #tpu.memory_space<vmem>>
      %dma_start3A_102 = tpu.memref_squeeze %dma_start3A_101 : memref<1x64x128xf32, #tpu.memory_space<vmem>> -> memref<64x128xf32, #tpu.memory_space<vmem>>
      %dma_start3A_103 = arith.constant 0 : i32
      %dma_start3A_104 = tpu.memref_slice %arg5[%add3A_50, %dma_start3A_103] : memref<10112x128xf32, #tpu.memory_space<vmem_shared>> -> memref<64x128xf32, #tpu.memory_space<vmem_shared>>
      %dma_start3A_105 = arith.constant 0 : i32
      %dma_start3A_106 = tpu.memref_slice %arg5[%add3A_50, %dma_start3A_105] : memref<10112x128xf32, #tpu.memory_space<vmem_shared>> -> memref<64x128xf32, #tpu.memory_space<vmem_shared>>
      %dma_start3A_107 = arith.constant 0 : i32
      %dma_start3A_108 = arith.constant 0 : i32
      %dma_start3A_109 = tpu.memref_slice %arg7[%run_scoped3A_51, %dma_start3A_107, %dma_start3A_108] : memref<3x125x128xf32, #tpu.memory_space<vmem>> -> memref<1x64x128xf32, #tpu.memory_space<vmem>>
      %dma_start3A_110 = tpu.memref_squeeze %dma_start3A_109 : memref<1x64x128xf32, #tpu.memory_space<vmem>> -> memref<64x128xf32, #tpu.memory_space<vmem>>
      tpu.enqueue_dma source(%dma_start3A_110 : memref<64x128xf32, #tpu.memory_space<vmem>>) target(%dma_start3A_106 : memref<64x128xf32, #tpu.memory_space<vmem_shared>>) target_semaphore(%run_scoped3A_98 : memref<!tpu.dma_semaphore, #tpu.memory_space<semaphore_mem>>)
      %dma_wait3A = arith.constant 0 : i32
      %dma_wait3A_111 = arith.constant 0 : i32
      %dma_wait3A_112 = tpu.memref_slice %arg7[%run_scoped3A_51, %dma_wait3A, %dma_wait3A_111] : memref<3x125x128xf32, #tpu.memory_space<vmem>> -> memref<1x64x128xf32, #tpu.memory_space<vmem>>
      %dma_wait3A_113 = tpu.memref_squeeze %dma_wait3A_112 : memref<1x64x128xf32, #tpu.memory_space<vmem>> -> memref<64x128xf32, #tpu.memory_space<vmem>>
      %dma_wait3A_114 = arith.constant 0 : i32
      %dma_wait3A_115 = tpu.memref_slice %arg5[%add3A_50, %dma_wait3A_114] : memref<10112x128xf32, #tpu.memory_space<vmem_shared>> -> memref<64x128xf32, #tpu.memory_space<vmem_shared>>
      %dma_wait3A_116 = arith.constant 0 : i32
      %dma_wait3A_117 = tpu.memref_slice %arg5[%add3A_50, %dma_wait3A_116] : memref<10112x128xf32, #tpu.memory_space<vmem_shared>> -> memref<64x128xf32, #tpu.memory_space<vmem_shared>>
      %dma_wait3A_118 = arith.constant 0 : i32
      %dma_wait3A_119 = arith.constant 0 : i32
      %dma_wait3A_120 = tpu.memref_slice %arg7[%run_scoped3A_51, %dma_wait3A_118, %dma_wait3A_119] : memref<3x125x128xf32, #tpu.memory_space<vmem>> -> memref<1x64x128xf32, #tpu.memory_space<vmem>>
      %dma_wait3A_121 = tpu.memref_squeeze %dma_wait3A_120 : memref<1x64x128xf32, #tpu.memory_space<vmem>> -> memref<64x128xf32, #tpu.memory_space<vmem>>
      tpu.wait_dma2 semaphore(%run_scoped3A_98 : memref<!tpu.dma_semaphore, #tpu.memory_space<semaphore_mem>>) src(%dma_wait3A_121 : memref<64x128xf32, #tpu.memory_space<vmem>>) dst(%dma_wait3A_117 : memref<64x128xf32, #tpu.memory_space<vmem_shared>>)
      tpu.yield
    }) : () -> ()
    %mul3A_52 = arith.constant 632 : i32
    %mul3A_53 = arith.muli %arg1, %mul3A_52 : i32
    %add3A_54 = arith.constant 192 : i32
    %add3A_55 = arith.addi %mul3A_53, %add3A_54 : i32
    %run_scoped3A_56 = arith.constant 2 : i32
    "tpu.region"() ({
      %run_scoped3A_98 = tpu.sem_alloc : memref<!tpu.dma_semaphore, #tpu.memory_space<semaphore_mem>>
      %dma_start3A_99 = arith.constant 0 : i32
      %dma_start3A_100 = arith.constant 0 : i32
      %dma_start3A_101 = tpu.memref_slice %arg7[%run_scoped3A_56, %dma_start3A_99, %dma_start3A_100] : memref<3x125x128xf32, #tpu.memory_space<vmem>> -> memref<1x64x128xf32, #tpu.memory_space<vmem>>
      %dma_start3A_102 = tpu.memref_squeeze %dma_start3A_101 : memref<1x64x128xf32, #tpu.memory_space<vmem>> -> memref<64x128xf32, #tpu.memory_space<vmem>>
      %dma_start3A_103 = arith.constant 0 : i32
      %dma_start3A_104 = tpu.memref_slice %arg5[%add3A_55, %dma_start3A_103] : memref<10112x128xf32, #tpu.memory_space<vmem_shared>> -> memref<64x128xf32, #tpu.memory_space<vmem_shared>>
      %dma_start3A_105 = arith.constant 0 : i32
      %dma_start3A_106 = tpu.memref_slice %arg5[%add3A_55, %dma_start3A_105] : memref<10112x128xf32, #tpu.memory_space<vmem_shared>> -> memref<64x128xf32, #tpu.memory_space<vmem_shared>>
      %dma_start3A_107 = arith.constant 0 : i32
      %dma_start3A_108 = arith.constant 0 : i32
      %dma_start3A_109 = tpu.memref_slice %arg7[%run_scoped3A_56, %dma_start3A_107, %dma_start3A_108] : memref<3x125x128xf32, #tpu.memory_space<vmem>> -> memref<1x64x128xf32, #tpu.memory_space<vmem>>
      %dma_start3A_110 = tpu.memref_squeeze %dma_start3A_109 : memref<1x64x128xf32, #tpu.memory_space<vmem>> -> memref<64x128xf32, #tpu.memory_space<vmem>>
      tpu.enqueue_dma source(%dma_start3A_110 : memref<64x128xf32, #tpu.memory_space<vmem>>) target(%dma_start3A_106 : memref<64x128xf32, #tpu.memory_space<vmem_shared>>) target_semaphore(%run_scoped3A_98 : memref<!tpu.dma_semaphore, #tpu.memory_space<semaphore_mem>>)
      %dma_wait3A = arith.constant 0 : i32
      %dma_wait3A_111 = arith.constant 0 : i32
      %dma_wait3A_112 = tpu.memref_slice %arg7[%run_scoped3A_56, %dma_wait3A, %dma_wait3A_111] : memref<3x125x128xf32, #tpu.memory_space<vmem>> -> memref<1x64x128xf32, #tpu.memory_space<vmem>>
      %dma_wait3A_113 = tpu.memref_squeeze %dma_wait3A_112 : memref<1x64x128xf32, #tpu.memory_space<vmem>> -> memref<64x128xf32, #tpu.memory_space<vmem>>
      %dma_wait3A_114 = arith.constant 0 : i32
      %dma_wait3A_115 = tpu.memref_slice %arg5[%add3A_55, %dma_wait3A_114] : memref<10112x128xf32, #tpu.memory_space<vmem_shared>> -> memref<64x128xf32, #tpu.memory_space<vmem_shared>>
      %dma_wait3A_116 = arith.constant 0 : i32
      %dma_wait3A_117 = tpu.memref_slice %arg5[%add3A_55, %dma_wait3A_116] : memref<10112x128xf32, #tpu.memory_space<vmem_shared>> -> memref<64x128xf32, #tpu.memory_space<vmem_shared>>
      %dma_wait3A_118 = arith.constant 0 : i32
      %dma_wait3A_119 = arith.constant 0 : i32
      %dma_wait3A_120 = tpu.memref_slice %arg7[%run_scoped3A_56, %dma_wait3A_118, %dma_wait3A_119] : memref<3x125x128xf32, #tpu.memory_space<vmem>> -> memref<1x64x128xf32, #tpu.memory_space<vmem>>
      %dma_wait3A_121 = tpu.memref_squeeze %dma_wait3A_120 : memref<1x64x128xf32, #tpu.memory_space<vmem>> -> memref<64x128xf32, #tpu.memory_space<vmem>>
      tpu.wait_dma2 semaphore(%run_scoped3A_98 : memref<!tpu.dma_semaphore, #tpu.memory_space<semaphore_mem>>) src(%dma_wait3A_121 : memref<64x128xf32, #tpu.memory_space<vmem>>) dst(%dma_wait3A_117 : memref<64x128xf32, #tpu.memory_space<vmem_shared>>)
      tpu.yield
    }) : () -> ()
    %mul3A_57 = arith.constant 632 : i32
    %mul3A_58 = arith.muli %arg1, %mul3A_57 : i32
    %add3A_59 = arith.constant 256 : i32
    %add3A_60 = arith.addi %mul3A_58, %add3A_59 : i32
    %run_scoped3A_61 = arith.constant 2 : i32
    "tpu.region"() ({
      %run_scoped3A_98 = tpu.sem_alloc : memref<!tpu.dma_semaphore, #tpu.memory_space<semaphore_mem>>
      %dma_start3A_99 = arith.constant 0 : i32
      %dma_start3A_100 = arith.constant 0 : i32
      %dma_start3A_101 = tpu.memref_slice %arg7[%run_scoped3A_61, %dma_start3A_99, %dma_start3A_100] : memref<3x125x128xf32, #tpu.memory_space<vmem>> -> memref<1x64x128xf32, #tpu.memory_space<vmem>>
      %dma_start3A_102 = tpu.memref_squeeze %dma_start3A_101 : memref<1x64x128xf32, #tpu.memory_space<vmem>> -> memref<64x128xf32, #tpu.memory_space<vmem>>
      %dma_start3A_103 = arith.constant 0 : i32
      %dma_start3A_104 = tpu.memref_slice %arg5[%add3A_60, %dma_start3A_103] : memref<10112x128xf32, #tpu.memory_space<vmem_shared>> -> memref<64x128xf32, #tpu.memory_space<vmem_shared>>
      %dma_start3A_105 = arith.constant 0 : i32
      %dma_start3A_106 = tpu.memref_slice %arg5[%add3A_60, %dma_start3A_105] : memref<10112x128xf32, #tpu.memory_space<vmem_shared>> -> memref<64x128xf32, #tpu.memory_space<vmem_shared>>
      %dma_start3A_107 = arith.constant 0 : i32
      %dma_start3A_108 = arith.constant 0 : i32
      %dma_start3A_109 = tpu.memref_slice %arg7[%run_scoped3A_61, %dma_start3A_107, %dma_start3A_108] : memref<3x125x128xf32, #tpu.memory_space<vmem>> -> memref<1x64x128xf32, #tpu.memory_space<vmem>>
      %dma_start3A_110 = tpu.memref_squeeze %dma_start3A_109 : memref<1x64x128xf32, #tpu.memory_space<vmem>> -> memref<64x128xf32, #tpu.memory_space<vmem>>
      tpu.enqueue_dma source(%dma_start3A_110 : memref<64x128xf32, #tpu.memory_space<vmem>>) target(%dma_start3A_106 : memref<64x128xf32, #tpu.memory_space<vmem_shared>>) target_semaphore(%run_scoped3A_98 : memref<!tpu.dma_semaphore, #tpu.memory_space<semaphore_mem>>)
      %dma_wait3A = arith.constant 0 : i32
      %dma_wait3A_111 = arith.constant 0 : i32
      %dma_wait3A_112 = tpu.memref_slice %arg7[%run_scoped3A_61, %dma_wait3A, %dma_wait3A_111] : memref<3x125x128xf32, #tpu.memory_space<vmem>> -> memref<1x64x128xf32, #tpu.memory_space<vmem>>
      %dma_wait3A_113 = tpu.memref_squeeze %dma_wait3A_112 : memref<1x64x128xf32, #tpu.memory_space<vmem>> -> memref<64x128xf32, #tpu.memory_space<vmem>>
      %dma_wait3A_114 = arith.constant 0 : i32
      %dma_wait3A_115 = tpu.memref_slice %arg5[%add3A_60, %dma_wait3A_114] : memref<10112x128xf32, #tpu.memory_space<vmem_shared>> -> memref<64x128xf32, #tpu.memory_space<vmem_shared>>
      %dma_wait3A_116 = arith.constant 0 : i32
      %dma_wait3A_117 = tpu.memref_slice %arg5[%add3A_60, %dma_wait3A_116] : memref<10112x128xf32, #tpu.memory_space<vmem_shared>> -> memref<64x128xf32, #tpu.memory_space<vmem_shared>>
      %dma_wait3A_118 = arith.constant 0 : i32
      %dma_wait3A_119 = arith.constant 0 : i32
      %dma_wait3A_120 = tpu.memref_slice %arg7[%run_scoped3A_61, %dma_wait3A_118, %dma_wait3A_119] : memref<3x125x128xf32, #tpu.memory_space<vmem>> -> memref<1x64x128xf32, #tpu.memory_space<vmem>>
      %dma_wait3A_121 = tpu.memref_squeeze %dma_wait3A_120 : memref<1x64x128xf32, #tpu.memory_space<vmem>> -> memref<64x128xf32, #tpu.memory_space<vmem>>
      tpu.wait_dma2 semaphore(%run_scoped3A_98 : memref<!tpu.dma_semaphore, #tpu.memory_space<semaphore_mem>>) src(%dma_wait3A_121 : memref<64x128xf32, #tpu.memory_space<vmem>>) dst(%dma_wait3A_117 : memref<64x128xf32, #tpu.memory_space<vmem_shared>>)
      tpu.yield
    }) : () -> ()
    %mul3A_62 = arith.constant 632 : i32
    %mul3A_63 = arith.muli %arg1, %mul3A_62 : i32
    %add3A_64 = arith.constant 320 : i32
    %add3A_65 = arith.addi %mul3A_63, %add3A_64 : i32
    %run_scoped3A_66 = arith.constant 2 : i32
    "tpu.region"() ({
      %run_scoped3A_98 = tpu.sem_alloc : memref<!tpu.dma_semaphore, #tpu.memory_space<semaphore_mem>>
      %dma_start3A_99 = arith.constant 0 : i32
      %dma_start3A_100 = arith.constant 0 : i32
      %dma_start3A_101 = tpu.memref_slice %arg7[%run_scoped3A_66, %dma_start3A_99, %dma_start3A_100] : memref<3x125x128xf32, #tpu.memory_space<vmem>> -> memref<1x64x128xf32, #tpu.memory_space<vmem>>
      %dma_start3A_102 = tpu.memref_squeeze %dma_start3A_101 : memref<1x64x128xf32, #tpu.memory_space<vmem>> -> memref<64x128xf32, #tpu.memory_space<vmem>>
      %dma_start3A_103 = arith.constant 0 : i32
      %dma_start3A_104 = tpu.memref_slice %arg5[%add3A_65, %dma_start3A_103] : memref<10112x128xf32, #tpu.memory_space<vmem_shared>> -> memref<64x128xf32, #tpu.memory_space<vmem_shared>>
      %dma_start3A_105 = arith.constant 0 : i32
      %dma_start3A_106 = tpu.memref_slice %arg5[%add3A_65, %dma_start3A_105] : memref<10112x128xf32, #tpu.memory_space<vmem_shared>> -> memref<64x128xf32, #tpu.memory_space<vmem_shared>>
      %dma_start3A_107 = arith.constant 0 : i32
      %dma_start3A_108 = arith.constant 0 : i32
      %dma_start3A_109 = tpu.memref_slice %arg7[%run_scoped3A_66, %dma_start3A_107, %dma_start3A_108] : memref<3x125x128xf32, #tpu.memory_space<vmem>> -> memref<1x64x128xf32, #tpu.memory_space<vmem>>
      %dma_start3A_110 = tpu.memref_squeeze %dma_start3A_109 : memref<1x64x128xf32, #tpu.memory_space<vmem>> -> memref<64x128xf32, #tpu.memory_space<vmem>>
      tpu.enqueue_dma source(%dma_start3A_110 : memref<64x128xf32, #tpu.memory_space<vmem>>) target(%dma_start3A_106 : memref<64x128xf32, #tpu.memory_space<vmem_shared>>) target_semaphore(%run_scoped3A_98 : memref<!tpu.dma_semaphore, #tpu.memory_space<semaphore_mem>>)
      %dma_wait3A = arith.constant 0 : i32
      %dma_wait3A_111 = arith.constant 0 : i32
      %dma_wait3A_112 = tpu.memref_slice %arg7[%run_scoped3A_66, %dma_wait3A, %dma_wait3A_111] : memref<3x125x128xf32, #tpu.memory_space<vmem>> -> memref<1x64x128xf32, #tpu.memory_space<vmem>>
      %dma_wait3A_113 = tpu.memref_squeeze %dma_wait3A_112 : memref<1x64x128xf32, #tpu.memory_space<vmem>> -> memref<64x128xf32, #tpu.memory_space<vmem>>
      %dma_wait3A_114 = arith.constant 0 : i32
      %dma_wait3A_115 = tpu.memref_slice %arg5[%add3A_65, %dma_wait3A_114] : memref<10112x128xf32, #tpu.memory_space<vmem_shared>> -> memref<64x128xf32, #tpu.memory_space<vmem_shared>>
      %dma_wait3A_116 = arith.constant 0 : i32
      %dma_wait3A_117 = tpu.memref_slice %arg5[%add3A_65, %dma_wait3A_116] : memref<10112x128xf32, #tpu.memory_space<vmem_shared>> -> memref<64x128xf32, #tpu.memory_space<vmem_shared>>
      %dma_wait3A_118 = arith.constant 0 : i32
      %dma_wait3A_119 = arith.constant 0 : i32
      %dma_wait3A_120 = tpu.memref_slice %arg7[%run_scoped3A_66, %dma_wait3A_118, %dma_wait3A_119] : memref<3x125x128xf32, #tpu.memory_space<vmem>> -> memref<1x64x128xf32, #tpu.memory_space<vmem>>
      %dma_wait3A_121 = tpu.memref_squeeze %dma_wait3A_120 : memref<1x64x128xf32, #tpu.memory_space<vmem>> -> memref<64x128xf32, #tpu.memory_space<vmem>>
      tpu.wait_dma2 semaphore(%run_scoped3A_98 : memref<!tpu.dma_semaphore, #tpu.memory_space<semaphore_mem>>) src(%dma_wait3A_121 : memref<64x128xf32, #tpu.memory_space<vmem>>) dst(%dma_wait3A_117 : memref<64x128xf32, #tpu.memory_space<vmem_shared>>)
      tpu.yield
    }) : () -> ()
    %mul3A_67 = arith.constant 632 : i32
    %mul3A_68 = arith.muli %arg1, %mul3A_67 : i32
    %add3A_69 = arith.constant 384 : i32
    %add3A_70 = arith.addi %mul3A_68, %add3A_69 : i32
    %run_scoped3A_71 = arith.constant 2 : i32
    "tpu.region"() ({
      %run_scoped3A_98 = tpu.sem_alloc : memref<!tpu.dma_semaphore, #tpu.memory_space<semaphore_mem>>
      %dma_start3A_99 = arith.constant 0 : i32
      %dma_start3A_100 = arith.constant 0 : i32
      %dma_start3A_101 = tpu.memref_slice %arg7[%run_scoped3A_71, %dma_start3A_99, %dma_start3A_100] : memref<3x125x128xf32, #tpu.memory_space<vmem>> -> memref<1x64x128xf32, #tpu.memory_space<vmem>>
      %dma_start3A_102 = tpu.memref_squeeze %dma_start3A_101 : memref<1x64x128xf32, #tpu.memory_space<vmem>> -> memref<64x128xf32, #tpu.memory_space<vmem>>
      %dma_start3A_103 = arith.constant 0 : i32
      %dma_start3A_104 = tpu.memref_slice %arg5[%add3A_70, %dma_start3A_103] : memref<10112x128xf32, #tpu.memory_space<vmem_shared>> -> memref<64x128xf32, #tpu.memory_space<vmem_shared>>
      %dma_start3A_105 = arith.constant 0 : i32
      %dma_start3A_106 = tpu.memref_slice %arg5[%add3A_70, %dma_start3A_105] : memref<10112x128xf32, #tpu.memory_space<vmem_shared>> -> memref<64x128xf32, #tpu.memory_space<vmem_shared>>
      %dma_start3A_107 = arith.constant 0 : i32
      %dma_start3A_108 = arith.constant 0 : i32
      %dma_start3A_109 = tpu.memref_slice %arg7[%run_scoped3A_71, %dma_start3A_107, %dma_start3A_108] : memref<3x125x128xf32, #tpu.memory_space<vmem>> -> memref<1x64x128xf32, #tpu.memory_space<vmem>>
      %dma_start3A_110 = tpu.memref_squeeze %dma_start3A_109 : memref<1x64x128xf32, #tpu.memory_space<vmem>> -> memref<64x128xf32, #tpu.memory_space<vmem>>
      tpu.enqueue_dma source(%dma_start3A_110 : memref<64x128xf32, #tpu.memory_space<vmem>>) target(%dma_start3A_106 : memref<64x128xf32, #tpu.memory_space<vmem_shared>>) target_semaphore(%run_scoped3A_98 : memref<!tpu.dma_semaphore, #tpu.memory_space<semaphore_mem>>)
      %dma_wait3A = arith.constant 0 : i32
      %dma_wait3A_111 = arith.constant 0 : i32
      %dma_wait3A_112 = tpu.memref_slice %arg7[%run_scoped3A_71, %dma_wait3A, %dma_wait3A_111] : memref<3x125x128xf32, #tpu.memory_space<vmem>> -> memref<1x64x128xf32, #tpu.memory_space<vmem>>
      %dma_wait3A_113 = tpu.memref_squeeze %dma_wait3A_112 : memref<1x64x128xf32, #tpu.memory_space<vmem>> -> memref<64x128xf32, #tpu.memory_space<vmem>>
      %dma_wait3A_114 = arith.constant 0 : i32
      %dma_wait3A_115 = tpu.memref_slice %arg5[%add3A_70, %dma_wait3A_114] : memref<10112x128xf32, #tpu.memory_space<vmem_shared>> -> memref<64x128xf32, #tpu.memory_space<vmem_shared>>
      %dma_wait3A_116 = arith.constant 0 : i32
      %dma_wait3A_117 = tpu.memref_slice %arg5[%add3A_70, %dma_wait3A_116] : memref<10112x128xf32, #tpu.memory_space<vmem_shared>> -> memref<64x128xf32, #tpu.memory_space<vmem_shared>>
      %dma_wait3A_118 = arith.constant 0 : i32
      %dma_wait3A_119 = arith.constant 0 : i32
      %dma_wait3A_120 = tpu.memref_slice %arg7[%run_scoped3A_71, %dma_wait3A_118, %dma_wait3A_119] : memref<3x125x128xf32, #tpu.memory_space<vmem>> -> memref<1x64x128xf32, #tpu.memory_space<vmem>>
      %dma_wait3A_121 = tpu.memref_squeeze %dma_wait3A_120 : memref<1x64x128xf32, #tpu.memory_space<vmem>> -> memref<64x128xf32, #tpu.memory_space<vmem>>
      tpu.wait_dma2 semaphore(%run_scoped3A_98 : memref<!tpu.dma_semaphore, #tpu.memory_space<semaphore_mem>>) src(%dma_wait3A_121 : memref<64x128xf32, #tpu.memory_space<vmem>>) dst(%dma_wait3A_117 : memref<64x128xf32, #tpu.memory_space<vmem_shared>>)
      tpu.yield
    }) : () -> ()
    %mul3A_72 = arith.constant 632 : i32
    %mul3A_73 = arith.muli %arg1, %mul3A_72 : i32
    %add3A_74 = arith.constant 448 : i32
    %add3A_75 = arith.addi %mul3A_73, %add3A_74 : i32
    %run_scoped3A_76 = arith.constant 2 : i32
    "tpu.region"() ({
      %run_scoped3A_98 = tpu.sem_alloc : memref<!tpu.dma_semaphore, #tpu.memory_space<semaphore_mem>>
      %dma_start3A_99 = arith.constant 0 : i32
      %dma_start3A_100 = arith.constant 0 : i32
      %dma_start3A_101 = tpu.memref_slice %arg7[%run_scoped3A_76, %dma_start3A_99, %dma_start3A_100] : memref<3x125x128xf32, #tpu.memory_space<vmem>> -> memref<1x64x128xf32, #tpu.memory_space<vmem>>
      %dma_start3A_102 = tpu.memref_squeeze %dma_start3A_101 : memref<1x64x128xf32, #tpu.memory_space<vmem>> -> memref<64x128xf32, #tpu.memory_space<vmem>>
      %dma_start3A_103 = arith.constant 0 : i32
      %dma_start3A_104 = tpu.memref_slice %arg5[%add3A_75, %dma_start3A_103] : memref<10112x128xf32, #tpu.memory_space<vmem_shared>> -> memref<64x128xf32, #tpu.memory_space<vmem_shared>>
      %dma_start3A_105 = arith.constant 0 : i32
      %dma_start3A_106 = tpu.memref_slice %arg5[%add3A_75, %dma_start3A_105] : memref<10112x128xf32, #tpu.memory_space<vmem_shared>> -> memref<64x128xf32, #tpu.memory_space<vmem_shared>>
      %dma_start3A_107 = arith.constant 0 : i32
      %dma_start3A_108 = arith.constant 0 : i32
      %dma_start3A_109 = tpu.memref_slice %arg7[%run_scoped3A_76, %dma_start3A_107, %dma_start3A_108] : memref<3x125x128xf32, #tpu.memory_space<vmem>> -> memref<1x64x128xf32, #tpu.memory_space<vmem>>
      %dma_start3A_110 = tpu.memref_squeeze %dma_start3A_109 : memref<1x64x128xf32, #tpu.memory_space<vmem>> -> memref<64x128xf32, #tpu.memory_space<vmem>>
      tpu.enqueue_dma source(%dma_start3A_110 : memref<64x128xf32, #tpu.memory_space<vmem>>) target(%dma_start3A_106 : memref<64x128xf32, #tpu.memory_space<vmem_shared>>) target_semaphore(%run_scoped3A_98 : memref<!tpu.dma_semaphore, #tpu.memory_space<semaphore_mem>>)
      %dma_wait3A = arith.constant 0 : i32
      %dma_wait3A_111 = arith.constant 0 : i32
      %dma_wait3A_112 = tpu.memref_slice %arg7[%run_scoped3A_76, %dma_wait3A, %dma_wait3A_111] : memref<3x125x128xf32, #tpu.memory_space<vmem>> -> memref<1x64x128xf32, #tpu.memory_space<vmem>>
      %dma_wait3A_113 = tpu.memref_squeeze %dma_wait3A_112 : memref<1x64x128xf32, #tpu.memory_space<vmem>> -> memref<64x128xf32, #tpu.memory_space<vmem>>
      %dma_wait3A_114 = arith.constant 0 : i32
      %dma_wait3A_115 = tpu.memref_slice %arg5[%add3A_75, %dma_wait3A_114] : memref<10112x128xf32, #tpu.memory_space<vmem_shared>> -> memref<64x128xf32, #tpu.memory_space<vmem_shared>>
      %dma_wait3A_116 = arith.constant 0 : i32
      %dma_wait3A_117 = tpu.memref_slice %arg5[%add3A_75, %dma_wait3A_116] : memref<10112x128xf32, #tpu.memory_space<vmem_shared>> -> memref<64x128xf32, #tpu.memory_space<vmem_shared>>
      %dma_wait3A_118 = arith.constant 0 : i32
      %dma_wait3A_119 = arith.constant 0 : i32
      %dma_wait3A_120 = tpu.memref_slice %arg7[%run_scoped3A_76, %dma_wait3A_118, %dma_wait3A_119] : memref<3x125x128xf32, #tpu.memory_space<vmem>> -> memref<1x64x128xf32, #tpu.memory_space<vmem>>
      %dma_wait3A_121 = tpu.memref_squeeze %dma_wait3A_120 : memref<1x64x128xf32, #tpu.memory_space<vmem>> -> memref<64x128xf32, #tpu.memory_space<vmem>>
      tpu.wait_dma2 semaphore(%run_scoped3A_98 : memref<!tpu.dma_semaphore, #tpu.memory_space<semaphore_mem>>) src(%dma_wait3A_121 : memref<64x128xf32, #tpu.memory_space<vmem>>) dst(%dma_wait3A_117 : memref<64x128xf32, #tpu.memory_space<vmem_shared>>)
      tpu.yield
    }) : () -> ()
    %mul3A_77 = arith.constant 632 : i32
    %mul3A_78 = arith.muli %arg1, %mul3A_77 : i32
    %add3A_79 = arith.constant 512 : i32
    %add3A_80 = arith.addi %mul3A_78, %add3A_79 : i32
    %run_scoped3A_81 = arith.constant 2 : i32
    "tpu.region"() ({
      %run_scoped3A_98 = tpu.sem_alloc : memref<!tpu.dma_semaphore, #tpu.memory_space<semaphore_mem>>
      %dma_start3A_99 = arith.constant 0 : i32
      %dma_start3A_100 = arith.constant 0 : i32
      %dma_start3A_101 = tpu.memref_slice %arg7[%run_scoped3A_81, %dma_start3A_99, %dma_start3A_100] : memref<3x125x128xf32, #tpu.memory_space<vmem>> -> memref<1x64x128xf32, #tpu.memory_space<vmem>>
      %dma_start3A_102 = tpu.memref_squeeze %dma_start3A_101 : memref<1x64x128xf32, #tpu.memory_space<vmem>> -> memref<64x128xf32, #tpu.memory_space<vmem>>
      %dma_start3A_103 = arith.constant 0 : i32
      %dma_start3A_104 = tpu.memref_slice %arg5[%add3A_80, %dma_start3A_103] : memref<10112x128xf32, #tpu.memory_space<vmem_shared>> -> memref<64x128xf32, #tpu.memory_space<vmem_shared>>
      %dma_start3A_105 = arith.constant 0 : i32
      %dma_start3A_106 = tpu.memref_slice %arg5[%add3A_80, %dma_start3A_105] : memref<10112x128xf32, #tpu.memory_space<vmem_shared>> -> memref<64x128xf32, #tpu.memory_space<vmem_shared>>
      %dma_start3A_107 = arith.constant 0 : i32
      %dma_start3A_108 = arith.constant 0 : i32
      %dma_start3A_109 = tpu.memref_slice %arg7[%run_scoped3A_81, %dma_start3A_107, %dma_start3A_108] : memref<3x125x128xf32, #tpu.memory_space<vmem>> -> memref<1x64x128xf32, #tpu.memory_space<vmem>>
      %dma_start3A_110 = tpu.memref_squeeze %dma_start3A_109 : memref<1x64x128xf32, #tpu.memory_space<vmem>> -> memref<64x128xf32, #tpu.memory_space<vmem>>
      tpu.enqueue_dma source(%dma_start3A_110 : memref<64x128xf32, #tpu.memory_space<vmem>>) target(%dma_start3A_106 : memref<64x128xf32, #tpu.memory_space<vmem_shared>>) target_semaphore(%run_scoped3A_98 : memref<!tpu.dma_semaphore, #tpu.memory_space<semaphore_mem>>)
      %dma_wait3A = arith.constant 0 : i32
      %dma_wait3A_111 = arith.constant 0 : i32
      %dma_wait3A_112 = tpu.memref_slice %arg7[%run_scoped3A_81, %dma_wait3A, %dma_wait3A_111] : memref<3x125x128xf32, #tpu.memory_space<vmem>> -> memref<1x64x128xf32, #tpu.memory_space<vmem>>
      %dma_wait3A_113 = tpu.memref_squeeze %dma_wait3A_112 : memref<1x64x128xf32, #tpu.memory_space<vmem>> -> memref<64x128xf32, #tpu.memory_space<vmem>>
      %dma_wait3A_114 = arith.constant 0 : i32
      %dma_wait3A_115 = tpu.memref_slice %arg5[%add3A_80, %dma_wait3A_114] : memref<10112x128xf32, #tpu.memory_space<vmem_shared>> -> memref<64x128xf32, #tpu.memory_space<vmem_shared>>
      %dma_wait3A_116 = arith.constant 0 : i32
      %dma_wait3A_117 = tpu.memref_slice %arg5[%add3A_80, %dma_wait3A_116] : memref<10112x128xf32, #tpu.memory_space<vmem_shared>> -> memref<64x128xf32, #tpu.memory_space<vmem_shared>>
      %dma_wait3A_118 = arith.constant 0 : i32
      %dma_wait3A_119 = arith.constant 0 : i32
      %dma_wait3A_120 = tpu.memref_slice %arg7[%run_scoped3A_81, %dma_wait3A_118, %dma_wait3A_119] : memref<3x125x128xf32, #tpu.memory_space<vmem>> -> memref<1x64x128xf32, #tpu.memory_space<vmem>>
      %dma_wait3A_121 = tpu.memref_squeeze %dma_wait3A_120 : memref<1x64x128xf32, #tpu.memory_space<vmem>> -> memref<64x128xf32, #tpu.memory_space<vmem>>
      tpu.wait_dma2 semaphore(%run_scoped3A_98 : memref<!tpu.dma_semaphore, #tpu.memory_space<semaphore_mem>>) src(%dma_wait3A_121 : memref<64x128xf32, #tpu.memory_space<vmem>>) dst(%dma_wait3A_117 : memref<64x128xf32, #tpu.memory_space<vmem_shared>>)
      tpu.yield
    }) : () -> ()
    %mul3A_82 = arith.constant 632 : i32
    %mul3A_83 = arith.muli %arg1, %mul3A_82 : i32
    %add3A_84 = arith.constant 576 : i32
    %add3A_85 = arith.addi %mul3A_83, %add3A_84 : i32
    %run_scoped3A_86 = arith.constant 2 : i32
    "tpu.region"() ({
      %run_scoped3A_98 = tpu.sem_alloc : memref<!tpu.dma_semaphore, #tpu.memory_space<semaphore_mem>>
      %dma_start3A_99 = arith.constant 0 : i32
      %dma_start3A_100 = arith.constant 0 : i32
      %dma_start3A_101 = tpu.memref_slice %arg7[%run_scoped3A_86, %dma_start3A_99, %dma_start3A_100] : memref<3x125x128xf32, #tpu.memory_space<vmem>> -> memref<1x56x128xf32, #tpu.memory_space<vmem>>
      %dma_start3A_102 = tpu.memref_squeeze %dma_start3A_101 : memref<1x56x128xf32, #tpu.memory_space<vmem>> -> memref<56x128xf32, #tpu.memory_space<vmem>>
      %dma_start3A_103 = arith.constant 0 : i32
      %dma_start3A_104 = tpu.memref_slice %arg5[%add3A_85, %dma_start3A_103] : memref<10112x128xf32, #tpu.memory_space<vmem_shared>> -> memref<56x128xf32, #tpu.memory_space<vmem_shared>>
      %dma_start3A_105 = arith.constant 0 : i32
      %dma_start3A_106 = tpu.memref_slice %arg5[%add3A_85, %dma_start3A_105] : memref<10112x128xf32, #tpu.memory_space<vmem_shared>> -> memref<56x128xf32, #tpu.memory_space<vmem_shared>>
      %dma_start3A_107 = arith.constant 0 : i32
      %dma_start3A_108 = arith.constant 0 : i32
      %dma_start3A_109 = tpu.memref_slice %arg7[%run_scoped3A_86, %dma_start3A_107, %dma_start3A_108] : memref<3x125x128xf32, #tpu.memory_space<vmem>> -> memref<1x56x128xf32, #tpu.memory_space<vmem>>
      %dma_start3A_110 = tpu.memref_squeeze %dma_start3A_109 : memref<1x56x128xf32, #tpu.memory_space<vmem>> -> memref<56x128xf32, #tpu.memory_space<vmem>>
      tpu.enqueue_dma source(%dma_start3A_110 : memref<56x128xf32, #tpu.memory_space<vmem>>) target(%dma_start3A_106 : memref<56x128xf32, #tpu.memory_space<vmem_shared>>) target_semaphore(%run_scoped3A_98 : memref<!tpu.dma_semaphore, #tpu.memory_space<semaphore_mem>>)
      %dma_wait3A = arith.constant 0 : i32
      %dma_wait3A_111 = arith.constant 0 : i32
      %dma_wait3A_112 = tpu.memref_slice %arg7[%run_scoped3A_86, %dma_wait3A, %dma_wait3A_111] : memref<3x125x128xf32, #tpu.memory_space<vmem>> -> memref<1x56x128xf32, #tpu.memory_space<vmem>>
      %dma_wait3A_113 = tpu.memref_squeeze %dma_wait3A_112 : memref<1x56x128xf32, #tpu.memory_space<vmem>> -> memref<56x128xf32, #tpu.memory_space<vmem>>
      %dma_wait3A_114 = arith.constant 0 : i32
      %dma_wait3A_115 = tpu.memref_slice %arg5[%add3A_85, %dma_wait3A_114] : memref<10112x128xf32, #tpu.memory_space<vmem_shared>> -> memref<56x128xf32, #tpu.memory_space<vmem_shared>>
      %dma_wait3A_116 = arith.constant 0 : i32
      %dma_wait3A_117 = tpu.memref_slice %arg5[%add3A_85, %dma_wait3A_116] : memref<10112x128xf32, #tpu.memory_space<vmem_shared>> -> memref<56x128xf32, #tpu.memory_space<vmem_shared>>
      %dma_wait3A_118 = arith.constant 0 : i32
      %dma_wait3A_119 = arith.constant 0 : i32
      %dma_wait3A_120 = tpu.memref_slice %arg7[%run_scoped3A_86, %dma_wait3A_118, %dma_wait3A_119] : memref<3x125x128xf32, #tpu.memory_space<vmem>> -> memref<1x56x128xf32, #tpu.memory_space<vmem>>
      %dma_wait3A_121 = tpu.memref_squeeze %dma_wait3A_120 : memref<1x56x128xf32, #tpu.memory_space<vmem>> -> memref<56x128xf32, #tpu.memory_space<vmem>>
      tpu.wait_dma2 semaphore(%run_scoped3A_98 : memref<!tpu.dma_semaphore, #tpu.memory_space<semaphore_mem>>) src(%dma_wait3A_121 : memref<56x128xf32, #tpu.memory_space<vmem>>) dst(%dma_wait3A_117 : memref<56x128xf32, #tpu.memory_space<vmem_shared>>)
      tpu.yield
    }) : () -> ()
    %barrier3A = arith.constant 0 : index
    tpu.barrier barrier_id(%barrier3A)
    %scan3A_87 = arith.constant 0 : i32
    %scan3A_88 = arith.constant 0 : i32
    %scan3A_89 = arith.constant 80 : i32
    %scan3A_90 = arith.addi %scan3A_88, %scan3A_89 : i32
    %scan3A_91 = arith.constant 1 : i32
    scf.for %scan3A_98 = %scan3A_88 to %scan3A_90 step %scan3A_91  : i32 {
      %rem3A = arith.constant 3 : i32
      %rem3A_99 = arith.remsi %scan3A_98, %rem3A : i32
      %dma_wait3A = arith.constant 0 : i32
      %dma_wait3A_100 = arith.constant 0 : i32
      %dma_wait3A_101 = arith.constant 0 : i32
      %dma_wait3A_102 = tpu.memref_slice %arg7[%rem3A_99, %dma_wait3A_100, %dma_wait3A_101] : memref<3x125x128xf32, #tpu.memory_space<vmem>> -> memref<1x125x128xf32, #tpu.memory_space<vmem>>
      %dma_wait3A_103 = tpu.memref_squeeze %dma_wait3A_102 : memref<1x125x128xf32, #tpu.memory_space<vmem>> -> memref<125x128xf32, #tpu.memory_space<vmem>>
      %dma_wait3A_104 = arith.constant 0 : i32
      %dma_wait3A_105 = tpu.memref_slice %arg6[%rem3A_99, %dma_wait3A, %dma_wait3A_104] : memref<3x2x125xi32, #tpu.memory_space<vmem>> -> memref<1x1x125xi32, #tpu.memory_space<vmem>>
      %dma_wait3A_106 = tpu.memref_squeeze %dma_wait3A_105 : memref<1x1x125xi32, #tpu.memory_space<vmem>> -> memref<125xi32, #tpu.memory_space<vmem>>
      %dma_wait3A_107 = arith.constant 0 : i32
      %dma_wait3A_108 = arith.constant 0 : i32
      %dma_wait3A_109 = tpu.memref_slice %arg2[%dma_wait3A_107, %dma_wait3A_108] : memref<10000x128xf32, #tpu.memory_space<hbm>> -> memref<10000x128xf32, #tpu.memory_space<hbm>>
      tpu.wait_indirect_dma semaphore(%arg8 : memref<!tpu.dma_semaphore, #tpu.memory_space<semaphore_mem>>) src(%dma_wait3A_109 : memref<10000x128xf32, #tpu.memory_space<hbm>>) dst(%dma_wait3A_103 : memref<125x128xf32, #tpu.memory_space<vmem>>)
      %gt3A = arith.constant 0 : i32
      %gt3A_110 = arith.cmpi sgt, %scan3A_98, %gt3A : i32
      %add3A_111 = arith.constant 2 : i32
      %add3A_112 = arith.addi %scan3A_98, %add3A_111 : i32
      %lt3A = arith.constant 80 : i32
      %lt3A_113 = arith.cmpi slt, %add3A_112, %lt3A : i32
      %and3A = arith.andi %gt3A_110, %lt3A_113 : i1
      %convert_element_type3A = arith.extui %and3A : i1 to i32
      %cond3A = arith.constant 0 : i32
      %cond3A_114 = arith.cmpi ne, %convert_element_type3A, %cond3A : i32
      scf.if %cond3A_114 {
        %add3A_130 = arith.constant 2 : i32
        %add3A_131 = arith.addi %scan3A_98, %add3A_130 : i32
        %rem3A_132 = arith.constant 3 : i32
        %rem3A_133 = arith.remsi %add3A_131, %rem3A_132 : i32
        %add3A_134 = arith.constant 2 : i32
        %add3A_135 = arith.addi %scan3A_98, %add3A_134 : i32
        %dma_wait3A_136 = arith.constant 0 : i32
        %dma_wait3A_137 = arith.constant 0 : i32
        %dma_wait3A_138 = tpu.memref_slice %arg6[%rem3A_133, %dma_wait3A_136, %dma_wait3A_137] : memref<3x2x125xi32, #tpu.memory_space<vmem>> -> memref<1x2x125xi32, #tpu.memory_space<vmem>>
        %dma_wait3A_139 = tpu.memref_squeeze %dma_wait3A_138 : memref<1x2x125xi32, #tpu.memory_space<vmem>> -> memref<2x125xi32, #tpu.memory_space<vmem>>
        %dma_wait3A_140 = arith.constant 0 : i32
        %dma_wait3A_141 = arith.constant 0 : i32
        %dma_wait3A_142 = tpu.memref_slice %arg3[%add3A, %add3A_135, %dma_wait3A_140, %dma_wait3A_141] : memref<32x80x2x125xi32, #tpu.memory_space<hbm>> -> memref<1x1x2x125xi32, #tpu.memory_space<hbm>>
        %dma_wait3A_143 = tpu.memref_squeeze %dma_wait3A_142 : memref<1x1x2x125xi32, #tpu.memory_space<hbm>> -> memref<2x125xi32, #tpu.memory_space<hbm>>
        %dma_wait3A_144 = arith.constant 0 : i32
        %dma_wait3A_145 = arith.constant 0 : i32
        %dma_wait3A_146 = tpu.memref_slice %arg6[%rem3A_133, %dma_wait3A_144, %dma_wait3A_145] : memref<3x2x125xi32, #tpu.memory_space<vmem>> -> memref<1x2x125xi32, #tpu.memory_space<vmem>>
        %dma_wait3A_147 = tpu.memref_squeeze %dma_wait3A_146 : memref<1x2x125xi32, #tpu.memory_space<vmem>> -> memref<2x125xi32, #tpu.memory_space<vmem>>
        %dma_wait3A_148 = arith.constant 0 : i32
        %dma_wait3A_149 = arith.constant 0 : i32
        %dma_wait3A_150 = tpu.memref_slice %arg3[%add3A, %add3A_135, %dma_wait3A_148, %dma_wait3A_149] : memref<32x80x2x125xi32, #tpu.memory_space<hbm>> -> memref<1x1x2x125xi32, #tpu.memory_space<hbm>>
        %dma_wait3A_151 = tpu.memref_squeeze %dma_wait3A_150 : memref<1x1x2x125xi32, #tpu.memory_space<hbm>> -> memref<2x125xi32, #tpu.memory_space<hbm>>
        tpu.wait_dma2 semaphore(%arg9 : memref<!tpu.dma_semaphore, #tpu.memory_space<semaphore_mem>>) src(%dma_wait3A_151 : memref<2x125xi32, #tpu.memory_space<hbm>>) dst(%dma_wait3A_147 : memref<2x125xi32, #tpu.memory_space<vmem>>)
      } else {
      }
      %add3A_115 = arith.constant 2 : i32
      %add3A_116 = arith.addi %scan3A_98, %add3A_115 : i32
      %lt3A_117 = arith.constant 80 : i32
      %lt3A_118 = arith.cmpi slt, %add3A_116, %lt3A_117 : i32
      %convert_element_type3A_119 = arith.extui %lt3A_118 : i1 to i32
      %cond3A_120 = arith.constant 0 : i32
      %cond3A_121 = arith.cmpi ne, %convert_element_type3A_119, %cond3A_120 : i32
      scf.if %cond3A_121 {
        %add3A_130 = arith.constant 2 : i32
        %add3A_131 = arith.addi %scan3A_98, %add3A_130 : i32
        %rem3A_132 = arith.constant 3 : i32
        %rem3A_133 = arith.remsi %add3A_131, %rem3A_132 : i32
        %dma_start3A_134 = arith.constant 0 : i32
        %dma_start3A_135 = arith.constant 0 : i32
        %dma_start3A_136 = arith.constant 0 : i32
        %dma_start3A_137 = tpu.memref_slice %arg7[%rem3A_133, %dma_start3A_135, %dma_start3A_136] : memref<3x125x128xf32, #tpu.memory_space<vmem>> -> memref<1x125x128xf32, #tpu.memory_space<vmem>>
        %dma_start3A_138 = tpu.memref_squeeze %dma_start3A_137 : memref<1x125x128xf32, #tpu.memory_space<vmem>> -> memref<125x128xf32, #tpu.memory_space<vmem>>
        %dma_start3A_139 = arith.constant 0 : i32
        %dma_start3A_140 = tpu.memref_slice %arg6[%rem3A_133, %dma_start3A_134, %dma_start3A_139] : memref<3x2x125xi32, #tpu.memory_space<vmem>> -> memref<1x1x125xi32, #tpu.memory_space<vmem>>
        %dma_start3A_141 = tpu.memref_squeeze %dma_start3A_140 : memref<1x1x125xi32, #tpu.memory_space<vmem>> -> memref<125xi32, #tpu.memory_space<vmem>>
        %dma_start3A_142 = arith.constant 0 : i32
        %dma_start3A_143 = arith.constant 0 : i32
        %dma_start3A_144 = tpu.memref_slice %arg2[%dma_start3A_142, %dma_start3A_143] : memref<10000x128xf32, #tpu.memory_space<hbm>> -> memref<10000x128xf32, #tpu.memory_space<hbm>>
        tpu.enqueue_indirect_dma source(%dma_start3A_144 : memref<10000x128xf32, #tpu.memory_space<hbm>>) target(%dma_start3A_138 : memref<125x128xf32, #tpu.memory_space<vmem>>) offsets(%dma_start3A_141 : memref<125xi32, #tpu.memory_space<vmem>>) semaphore(%arg8 : memref<!tpu.dma_semaphore, #tpu.memory_space<semaphore_mem>>)
      } else {
      }
      %run_scoped3A_122 = arith.constant 1 : i32
      "tpu.region"() ({
        %run_scoped3A_130 = tpu.sem_alloc : memref<!tpu.dma_semaphore, #tpu.memory_space<semaphore_mem>>
        %dma_start3A_131 = arith.constant 0 : i32
        %dma_start3A_132 = arith.constant 0 : i32
        %dma_start3A_133 = tpu.memref_slice %arg7[%rem3A_99, %dma_start3A_131, %dma_start3A_132] : memref<3x125x128xf32, #tpu.memory_space<vmem>> -> memref<1x125x128xf32, #tpu.memory_space<vmem>>
        %dma_start3A_134 = tpu.memref_squeeze %dma_start3A_133 : memref<1x125x128xf32, #tpu.memory_space<vmem>> -> memref<125x128xf32, #tpu.memory_space<vmem>>
        %dma_start3A_135 = arith.constant 0 : i32
        %dma_start3A_136 = tpu.memref_slice %arg6[%rem3A_99, %run_scoped3A_122, %dma_start3A_135] : memref<3x2x125xi32, #tpu.memory_space<vmem>> -> memref<1x1x125xi32, #tpu.memory_space<vmem>>
        %dma_start3A_137 = tpu.memref_squeeze %dma_start3A_136 : memref<1x1x125xi32, #tpu.memory_space<vmem>> -> memref<125xi32, #tpu.memory_space<vmem>>
        %dma_start3A_138 = arith.constant 0 : i32
        %dma_start3A_139 = arith.constant 0 : i32
        %dma_start3A_140 = tpu.memref_slice %arg5[%dma_start3A_138, %dma_start3A_139] : memref<10112x128xf32, #tpu.memory_space<vmem_shared>> -> memref<10112x128xf32, #tpu.memory_space<vmem_shared>>
        tpu.enqueue_indirect_dma source(%dma_start3A_134 : memref<125x128xf32, #tpu.memory_space<vmem>>) target(%dma_start3A_140 : memref<10112x128xf32, #tpu.memory_space<vmem_shared>>) offsets(%dma_start3A_137 : memref<125xi32, #tpu.memory_space<vmem>>) semaphore(%run_scoped3A_130 : memref<!tpu.dma_semaphore, #tpu.memory_space<semaphore_mem>>) {add = true}
        %dma_wait3A_141 = arith.constant 0 : i32
        %dma_wait3A_142 = arith.constant 0 : i32
        %dma_wait3A_143 = tpu.memref_slice %arg7[%rem3A_99, %dma_wait3A_141, %dma_wait3A_142] : memref<3x125x128xf32, #tpu.memory_space<vmem>> -> memref<1x125x128xf32, #tpu.memory_space<vmem>>
        %dma_wait3A_144 = tpu.memref_squeeze %dma_wait3A_143 : memref<1x125x128xf32, #tpu.memory_space<vmem>> -> memref<125x128xf32, #tpu.memory_space<vmem>>
        %dma_wait3A_145 = arith.constant 0 : i32
        %dma_wait3A_146 = tpu.memref_slice %arg6[%rem3A_99, %run_scoped3A_122, %dma_wait3A_145] : memref<3x2x125xi32, #tpu.memory_space<vmem>> -> memref<1x1x125xi32, #tpu.memory_space<vmem>>
        %dma_wait3A_147 = tpu.memref_squeeze %dma_wait3A_146 : memref<1x1x125xi32, #tpu.memory_space<vmem>> -> memref<125xi32, #tpu.memory_space<vmem>>
        %dma_wait3A_148 = arith.constant 0 : i32
        %dma_wait3A_149 = arith.constant 0 : i32
        %dma_wait3A_150 = tpu.memref_slice %arg5[%dma_wait3A_148, %dma_wait3A_149] : memref<10112x128xf32, #tpu.memory_space<vmem_shared>> -> memref<10112x128xf32, #tpu.memory_space<vmem_shared>>
        tpu.wait_indirect_dma semaphore(%run_scoped3A_130 : memref<!tpu.dma_semaphore, #tpu.memory_space<semaphore_mem>>) src(%dma_wait3A_144 : memref<125x128xf32, #tpu.memory_space<vmem>>) dst(%dma_wait3A_150 : memref<10112x128xf32, #tpu.memory_space<vmem_shared>>)
        tpu.yield
      }) : () -> ()
      %add3A_123 = arith.constant 3 : i32
      %add3A_124 = arith.addi %scan3A_98, %add3A_123 : i32
      %lt3A_125 = arith.constant 80 : i32
      %lt3A_126 = arith.cmpi slt, %add3A_124, %lt3A_125 : i32
      %convert_element_type3A_127 = arith.extui %lt3A_126 : i1 to i32
      %cond3A_128 = arith.constant 0 : i32
      %cond3A_129 = arith.cmpi ne, %convert_element_type3A_127, %cond3A_128 : i32
      scf.if %cond3A_129 {
        %add3A_130 = arith.constant 3 : i32
        %add3A_131 = arith.addi %scan3A_98, %add3A_130 : i32
        %dma_start3A_132 = arith.constant 0 : i32
        %dma_start3A_133 = arith.constant 0 : i32
        %dma_start3A_134 = tpu.memref_slice %arg6[%rem3A_99, %dma_start3A_132, %dma_start3A_133] : memref<3x2x125xi32, #tpu.memory_space<vmem>> -> memref<1x2x125xi32, #tpu.memory_space<vmem>>
        %dma_start3A_135 = tpu.memref_squeeze %dma_start3A_134 : memref<1x2x125xi32, #tpu.memory_space<vmem>> -> memref<2x125xi32, #tpu.memory_space<vmem>>
        %dma_start3A_136 = arith.constant 0 : i32
        %dma_start3A_137 = arith.constant 0 : i32
        %dma_start3A_138 = tpu.memref_slice %arg3[%add3A, %add3A_131, %dma_start3A_136, %dma_start3A_137] : memref<32x80x2x125xi32, #tpu.memory_space<hbm>> -> memref<1x1x2x125xi32, #tpu.memory_space<hbm>>
        %dma_start3A_139 = tpu.memref_squeeze %dma_start3A_138 : memref<1x1x2x125xi32, #tpu.memory_space<hbm>> -> memref<2x125xi32, #tpu.memory_space<hbm>>
        %dma_start3A_140 = arith.constant 0 : i32
        %dma_start3A_141 = arith.constant 0 : i32
        %dma_start3A_142 = tpu.memref_slice %arg6[%rem3A_99, %dma_start3A_140, %dma_start3A_141] : memref<3x2x125xi32, #tpu.memory_space<vmem>> -> memref<1x2x125xi32, #tpu.memory_space<vmem>>
        %dma_start3A_143 = tpu.memref_squeeze %dma_start3A_142 : memref<1x2x125xi32, #tpu.memory_space<vmem>> -> memref<2x125xi32, #tpu.memory_space<vmem>>
        %dma_start3A_144 = arith.constant 0 : i32
        %dma_start3A_145 = arith.constant 0 : i32
        %dma_start3A_146 = tpu.memref_slice %arg3[%add3A, %add3A_131, %dma_start3A_144, %dma_start3A_145] : memref<32x80x2x125xi32, #tpu.memory_space<hbm>> -> memref<1x1x2x125xi32, #tpu.memory_space<hbm>>
        %dma_start3A_147 = tpu.memref_squeeze %dma_start3A_146 : memref<1x1x2x125xi32, #tpu.memory_space<hbm>> -> memref<2x125xi32, #tpu.memory_space<hbm>>
        tpu.enqueue_dma source(%dma_start3A_147 : memref<2x125xi32, #tpu.memory_space<hbm>>) target(%dma_start3A_143 : memref<2x125xi32, #tpu.memory_space<vmem>>) target_semaphore(%arg9 : memref<!tpu.dma_semaphore, #tpu.memory_space<semaphore_mem>>)
      } else {
      }
    }
    %scan3A_92 = arith.constant 80 : i32
    %barrier3A_93 = arith.constant 0 : index
    tpu.barrier barrier_id(%barrier3A_93)
    %mul3A_94 = arith.constant 632 : i32
    %mul3A_95 = arith.muli %arg1, %mul3A_94 : i32
    %mul3A_96 = arith.constant 632 : i32
    %mul3A_97 = arith.muli %arg1, %mul3A_96 : i32
    "tpu.region"() ({
      %run_scoped3A_98 = tpu.sem_alloc : memref<!tpu.dma_semaphore, #tpu.memory_space<semaphore_mem>>
      %dma_start3A_99 = arith.constant 0 : i32
      %dma_start3A_100 = tpu.memref_slice %arg4[%arg0, %mul3A_97, %dma_start3A_99] : memref<2x10112x128xf32, #tpu.memory_space<hbm>> -> memref<1x632x128xf32, #tpu.memory_space<hbm>>
      %dma_start3A_101 = tpu.memref_squeeze %dma_start3A_100 : memref<1x632x128xf32, #tpu.memory_space<hbm>> -> memref<632x128xf32, #tpu.memory_space<hbm>>
      %dma_start3A_102 = arith.constant 0 : i32
      %dma_start3A_103 = tpu.memref_slice %arg5[%mul3A_95, %dma_start3A_102] : memref<10112x128xf32, #tpu.memory_space<vmem_shared>> -> memref<632x128xf32, #tpu.memory_space<vmem_shared>>
      tpu.enqueue_dma source(%dma_start3A_103 : memref<632x128xf32, #tpu.memory_space<vmem_shared>>) target(%dma_start3A_101 : memref<632x128xf32, #tpu.memory_space<hbm>>) target_semaphore(%run_scoped3A_98 : memref<!tpu.dma_semaphore, #tpu.memory_space<semaphore_mem>>)
      %dma_wait3A = arith.constant 0 : i32
      %dma_wait3A_104 = tpu.memref_slice %arg4[%arg0, %mul3A_97, %dma_wait3A] : memref<2x10112x128xf32, #tpu.memory_space<hbm>> -> memref<1x632x128xf32, #tpu.memory_space<hbm>>
      %dma_wait3A_105 = tpu.memref_squeeze %dma_wait3A_104 : memref<1x632x128xf32, #tpu.memory_space<hbm>> -> memref<632x128xf32, #tpu.memory_space<hbm>>
      %dma_wait3A_106 = arith.constant 0 : i32
      %dma_wait3A_107 = tpu.memref_slice %arg5[%mul3A_95, %dma_wait3A_106] : memref<10112x128xf32, #tpu.memory_space<vmem_shared>> -> memref<632x128xf32, #tpu.memory_space<vmem_shared>>
      tpu.wait_dma2 semaphore(%run_scoped3A_98 : memref<!tpu.dma_semaphore, #tpu.memory_space<semaphore_mem>>) src(%dma_wait3A_107 : memref<632x128xf32, #tpu.memory_space<vmem_shared>>) dst(%dma_wait3A_105 : memref<632x128xf32, #tpu.memory_space<hbm>>)
      tpu.yield
    }) : () -> ()
    return
  }
}

module attributes {stable_mosaic.version = 14 : i64} {
  func.func @_linear_body(%arg0: i32, %arg1: memref<2x2000x128xf32, #tpu.memory_space<vmem>>, %arg2: memref<128x128xf32, #tpu.memory_space<vmem>>, %arg3: memref<1x128xf32, #tpu.memory_space<vmem>>, %arg4: memref<2000x128xf32, #tpu.memory_space<vmem>>) attributes {dimension_semantics = [#tpu.dimension_semantics<arbitrary>], iteration_bounds = array<i64: 5>, scalar_prefetch = 0 : i64, scratch_operands = 0 : i64, tpu.core_type = #tpu.core_type<tc>, window_params = [{transform_indices = @transform_0, window_bounds = array<i64: 2, 2000, 128>}, {pipeline_mode = #tpu.pipeline_mode<synchronous>, transform_indices = @transform_1, window_bounds = array<i64: 128, 128>}, {pipeline_mode = #tpu.pipeline_mode<synchronous>, transform_indices = @transform_2, window_bounds = array<i64: 1, 128>}, {transform_indices = @transform_3, window_bounds = array<i64: 2000, 128>}]} {
    %get3A = arith.constant 0 : index
    %get3A_0 = arith.constant 0 : index
    %get3A_1 = arith.constant 0 : index
    %get3A_2 = vector.load %arg1[%get3A, %get3A_0, %get3A_1] : memref<2x2000x128xf32, #tpu.memory_space<vmem>>, vector<1x2000x128xf32>
    %get3A_3 = vector.shape_cast %get3A_2 : vector<1x2000x128xf32> to vector<2000x128xf32>
    %get3A_4 = arith.constant 1 : index
    %get3A_5 = arith.constant 0 : index
    %get3A_6 = arith.constant 0 : index
    %get3A_7 = vector.load %arg1[%get3A_4, %get3A_5, %get3A_6] : memref<2x2000x128xf32, #tpu.memory_space<vmem>>, vector<1x2000x128xf32>
    %get3A_8 = vector.shape_cast %get3A_7 : vector<1x2000x128xf32> to vector<2000x128xf32>
    %add3A = arith.addf %get3A_3, %get3A_8 : vector<2000x128xf32>
    %get3A_9 = arith.constant 0 : index
    %get3A_10 = arith.constant 0 : index
    %get3A_11 = vector.load %arg2[%get3A_9, %get3A_10] : memref<128x128xf32, #tpu.memory_space<vmem>>, vector<128x128xf32>
    %dot_general3A = arith.constant dense<0.000000e+00> : vector<2000x128xf32>
    %dot_general3A_12 = tpu.matmul %add3A, %get3A_11, %dot_general3A {dimension_numbers = #tpu.dot_dimension_numbers<[1], [0], [0], [1], [0, 0, 1, 1], [], []>, precision = #tpu.contract_precision<fp32>, transpose_lhs_hint = false} : vector<2000x128xf32>, vector<128x128xf32>, vector<2000x128xf32> -> vector<2000x128xf32>
    %get3A_13 = arith.constant 0 : index
    %get3A_14 = arith.constant 0 : index
    %get3A_15 = vector.load %arg3[%get3A_13, %get3A_14] : memref<1x128xf32, #tpu.memory_space<vmem>>, vector<1x128xf32>
    %add3A_16 = vector.broadcast %get3A_15 : vector<1x128xf32> to vector<2000x128xf32>
    %add3A_17 = arith.addf %dot_general3A_12, %add3A_16 : vector<2000x128xf32>
    %max3A = arith.constant 0.000000e+00 : f32
    %max3A_18 = vector.broadcast %max3A : f32 to vector<2000x128xf32>
    %max3A_19 = arith.maximumf %add3A_17, %max3A_18 : vector<2000x128xf32>
    %swap3A = arith.constant 0 : index
    %swap3A_20 = arith.constant 0 : index
    %swap3A_21 = vector.load %arg4[%swap3A, %swap3A_20] : memref<2000x128xf32, #tpu.memory_space<vmem>>, vector<2000x128xf32>
    tpu.vector_store %arg4[%swap3A, %swap3A_20], %max3A_19 {strides = array<i32>} : memref<2000x128xf32, #tpu.memory_space<vmem>>, vector<2000x128xf32>,
    return
  }
  func.func @transform_0(%arg0: i32) -> (i32, i32, i32) {
    %c0_i32 = arith.constant 0 : i32
    %c0_i32_0 = arith.constant 0 : i32
    %c0_i32_1 = arith.constant 0 : i32
    return %c0_i32, %arg0, %c0_i32_0 : i32, i32, i32
  }
  func.func @transform_1(%arg0: i32) -> (i32, i32) {
    %c0_i32 = arith.constant 0 : i32
    %c0_i32_0 = arith.constant 0 : i32
    %c0_i32_1 = arith.constant 0 : i32
    return %c0_i32, %c0_i32_0 : i32, i32
  }
  func.func @transform_2(%arg0: i32) -> (i32, i32) {
    %c0_i32 = arith.constant 0 : i32
    %c0_i32_0 = arith.constant 0 : i32
    %c0_i32_1 = arith.constant 0 : i32
    return %c0_i32, %c0_i32_0 : i32, i32
  }
  func.func @transform_3(%arg0: i32) -> (i32, i32) {
    %c0_i32 = arith.constant 0 : i32
    %c0_i32_0 = arith.constant 0 : i32
    return %arg0, %c0_i32 : i32, i32
  }
}

</mosaic_0001>

<sc_bundles>
// kernel: kernel.4.cloned.1.call-start
scs
__scs_entry_jumppad:
0x0: {  	(pc) =	sbr.rel $0x88, $3  }
0x1: {  	(tag) =	ssettag $0x0;
	lr =	simm.s32 $0x1  }
0x2: {  	[smem:$0x3F9D] =	sst lr;
	_ =	strace $0xD0000000  }
0x3: {  	_ = 	snop  }
0x4: {  	_ = 	snop  }
0x5: {  	_ = 	snop  }
0x6: {  	_ = 	snop  }
0x7: {  	_ = 	snop  }
__scs_overlays_trampoline_lowered:
0x8: {  	[smem:$0x3FAC] =	sst s0  }
0x9: {  	[smem:$0x3FAD] =	sst s1  }
0xa: {  	[smem:$0x3FAE] =	sst s2  }
0xb: {  	[smem:$0x3FAF] =	sst s3  }
0xc: {  	[smem:$0x3FB0] =	sst s4  }
0xd: {  	[smem:$0x3FB1] =	sst s5  }
0xe: {  	[smem:$0x3FB2] =	sst s6  }
0xf: {  	[smem:$0x3FB3] =	sst s7  }
0x10: {  	[smem:$0x3FB4] =	sst s8  }
0x11: {  	[smem:$0x3FB5] =	sst s9;
	s0 =	simm.s32 @!p0 $0x0  }
0x12: {  	s1 =	sld [smem:$0x3F9B];
	s0 =	simm.s32 @p0 $0x1  }
0x13: {  	[smem:$0x3FB6] =	sst s0;
	s0 =	simm.s32 @!p1 $0x0  }
0x14: {  	s2 =	sld [smem:$0x3F9A];
	s0 =	simm.s32 @p1 $0x1  }
0x15: {  	[smem:$0x3FB7] =	sst s0;
	s0 =	simm.s32 @!p2 $0x0  }
0x16: {  	s3 =	sld [smem:$0x3FDB];
	s0 =	simm.s32 @p2 $0x1  }
0x17: {  	s4 =	simm.s32 $0x1BF5;
	[smem:$0x3FB9] =	sst s0  }
0x18: {  	s0 =	sld [smem:$0x3F9C];
	_ =	swait.ge [sflag:s4], $0x0  }
0x19: {  	s7 =	sld [smem:$0x3F9D]  }
0x1a: {  	s8 =	sadd.s32 $0xFFFFE003, lr  }
0x1b: {  	s9 =	sadd.s32 $0xFFFFFEF7, lr;
	s5 =	simm.s32 $0xFFFFFFFF;
	p2 =	slt.u32 s8, $0xFFFFF086  }
0x1c: {  	p1 =	slt.u32 s9, $0xF7A;
	s5 =	simm.s32 @!p2 $0x0  }
0x1d: {  	s5 =	simm.s32 @p1 $0x1;
	p0 =	seq.s32 s7, s2  }
0x1e: {  	s7 =	smul.u32 @!p0 $0xF7A, s2;
	p2 =	seq.s32 @!p0 s5, $0x0  }
0x1f: {  	s9 =	smul.u32 $0xF7A, s1;
	s8 =	simm.s32 @!p0 $0x1BF5;
	p2 =	por !p2, p0  }
0x20: {  	[sflag:s8] =	ssyncset.s32 @!p0 $0xFFFFF086;
	s6 =	sadd.s32 @!p0 s3, s7;
	s7 =	simm.s32 @!p0 $0x108  }
0x21: {  	s3 =	sadd.s32 s3, s9;
	s6 =	sadd.s32 @!p0 $0x88, s6;
	s7 =	simm.s32 @p2 $0x1082  }
0x22: {  	[simem:s7], [sflag:s8] =	dma.local @!p0 [hbm:s6], $0xF7A  }
0x23: {  	s9 =	sor.u32 $0xD0000000, s2;
	s6 =	simm.s32 $0x108;
	_ =	swait.ge @!p0 [sflag:s8], $0x0  }
0x24: {  	s3 =	sadd.s32 $0x88, s3;
	s6 =	simm.s32 @!p1 $0x1082;
	[sflag:s4] =	ssyncset.s32 $0xFFFFF086  }
0x25: {  	[simem:s6], [sflag:s4] =	dma.local [hbm:s3], $0xF7A  }
0x26: {  	[smem:$0x3F9D] =	sst s1;
	(tag) =	ssettag s2;
	_ =	strace s9  }
0x27: {  	s1 =	sld [smem:$0x3FAD]  }
0x28: {  	s2 =	sld [smem:$0x3FAE]  }
0x29: {  	s4 =	sld [smem:$0x3FB0]  }
0x2a: {  	p0 =	seq.s32 s5, $0x0;
	s5 =	sld [smem:$0x3FB1]  }
0x2b: {  	s6 =	sld [smem:$0x3FB2]  }
0x2c: {  	s7 =	sld [smem:$0x3FB3]  }
0x2d: {  	s3 =	simm.s32 $0x108;
	s8 =	sld [smem:$0x3FB4]  }
0x2e: {  	s3 =	simm.s32 @!p0 $0x1082;
	s9 =	sld [smem:$0x3FB5]  }
0x2f: {  	lr =	sadd.s32 s0, s3;
	s0 =	sld [smem:$0x3FAC]  }
0x30: {  	s3 =	sld [smem:$0x3FAF]  }
0x31: {  	[smem:$0x3FB8] =	sst s10  }
0x32: {  	s10 =	sld [smem:$0x3FB6];
	_ =	sdelay $0x3  }
0x33: {  	p0 =	seq.s32 s10, $0x1;
	s10 =	sld [smem:$0x3FB8];
	_ =	sdelay $0x3  }
0x34: {  	[smem:$0x3FB8] =	sst s10  }
0x35: {  	s10 =	sld [smem:$0x3FB7];
	_ =	sdelay $0x3  }
0x36: {  	p1 =	seq.s32 s10, $0x1;
	s10 =	sld [smem:$0x3FB8];
	_ =	sdelay $0x3  }
0x37: {  	[smem:$0x3FB8] =	sst s10  }
0x38: {  	s10 =	sld [smem:$0x3FB9]  }
0x39: {  	_ = 	snop;
	(pc) =	sbr.ind lr, $3  }
0x3a: {  	_ = 	snop  }
0x3b: {  	_ = 	snop  }
0x3c: {  	p2 =	seq.s32 s10, $0x1;
	s10 =	sld [smem:$0x3FB8]  }
0x3d: {  	_ =	shalt  }
0x3e: {  	_ =	shalt  }
0x3f: {  	_ =	shalt  }
0x40: {  	_ =	shalt  }
0x41: {  	_ =	shalt  }
0x42: {  	_ =	shalt  }
0x43: {  	_ =	shalt  }
0x44: {  	_ =	shalt  }
0x45: {  	_ =	shalt  }
0x46: {  	_ =	shalt  }
0x47: {  	_ =	shalt  }
0x48: {  	_ =	shalt  }
0x49: {  	_ =	shalt  }
0x4a: {  	_ =	shalt  }
0x4b: {  	_ =	shalt  }
0x4c: {  	_ =	shalt  }
0x4d: {  	_ =	shalt  }
0x4e: {  	_ =	shalt  }
0x4f: {  	_ =	shalt  }
0x50: {  	_ =	shalt  }
0x51: {  	_ =	shalt  }
0x52: {  	_ =	shalt  }
0x53: {  	_ =	shalt  }
0x54: {  	_ =	shalt  }
0x55: {  	_ =	shalt  }
0x56: {  	_ =	shalt  }
0x57: {  	_ =	shalt  }
0x58: {  	_ =	shalt  }
0x59: {  	_ =	shalt  }
0x5a: {  	_ =	shalt  }
0x5b: {  	_ =	shalt  }
0x5c: {  	_ =	shalt  }
0x5d: {  	_ =	shalt  }
0x5e: {  	_ =	shalt  }
0x5f: {  	_ =	shalt  }
0x60: {  	_ =	shalt  }
0x61: {  	_ =	shalt  }
0x62: {  	_ =	shalt  }
0x63: {  	_ =	shalt  }
0x64: {  	_ =	shalt  }
0x65: {  	_ =	shalt  }
0x66: {  	_ =	shalt  }
0x67: {  	_ =	shalt  }
0x68: {  	_ =	shalt  }
0x69: {  	_ =	shalt  }
0x6a: {  	_ =	shalt  }
0x6b: {  	_ =	shalt  }
0x6c: {  	_ =	shalt  }
0x6d: {  	_ =	shalt  }
0x6e: {  	_ =	shalt  }
0x6f: {  	_ =	shalt  }
0x70: {  	_ =	shalt  }
0x71: {  	_ =	shalt  }
0x72: {  	_ =	shalt  }
0x73: {  	_ =	shalt  }
0x74: {  	_ =	shalt  }
0x75: {  	_ =	shalt  }
0x76: {  	_ =	shalt  }
0x77: {  	_ =	shalt  }
0x78: {  	_ =	shalt  }
0x79: {  	_ =	shalt  }
0x7a: {  	_ =	shalt  }
0x7b: {  	_ =	shalt  }
0x7c: {  	_ =	shalt  }
0x7d: {  	_ =	shalt  }
0x7e: {  	_ =	shalt  }
0x7f: {  	_ =	shalt  }
0x80: {  	_ =	shalt  }
0x81: {  	_ =	shalt  }
0x82: {  	_ =	shalt  }
0x83: {  	_ =	shalt  }
0x84: {  	_ =	shalt  }
0x85: {  	_ =	shalt  }
0x86: {  	_ =	shalt  }
0x87: {  	_ =	shalt  }
.Lfunc_end0:
.L_simem_size_0:
called_computation_lowered:
.L_overlay_start_0:
0x88: {  	s2 =	sld [smem:$0x3FD9]  }
0x89: {  	s3 =	sld [smem:$0x3FFE];
	_ =	sdelay $0x1  }
0x8a: {  	s1 =	srdreg.scid  }
0x8b: {  	s0 =	sand.u32 $0x1, s1  }
0x8c: {  	s17 =	sshll.u32 s0, $0xA;
	s2 =	sadd.s32 s3, s2  }
0x8d: {  	s2 =	sadd.s32 s2, s17  }
0x8e: {  	[smem:$0x3FC4] =	sst s2  }
0x8f: {  	_ = 	snop  }
0x90: {  	s2 =	sld [smem:$0x3FC9]  }
0x91: {  	s18 =	sld [smem:$0x3FD0];
	(tm) =	ssettm $0x1  }
0x92: {  	s4 =	sld [smem:$0x3FFB];
	_ =	sdelay $0x3  }
0x93: {  	_ =	strace s4  }
0x94: {  	s4 =	sld [smem:$0x3FFC];
	_ =	sdelay $0x3  }
0x95: {  	_ =	strace s4  }
0x96: {  	s4 =	sld [smem:$0x3FFD];
	_ =	sdelay $0x3  }
0x97: {  	_ =	strace s4  }
0x98: {  	_ =	strace $0x8FFFFFFF  }
0x99: {  	s19 =	sld [smem:$0x3FDB];
	_ =	sdelay $0x1  }
0x9a: {  	s5 =	simm.s32 $_scs_section_size  }
0x9b: {  	s6 =	simm.s32 $_size__tile_overlayer_lowered;
	s7 =	simm.s32 $_tile_overlayer_lowered  }
0x9c: {  	s22 =	simm.s32 $0x1BFF;
	s21 =	sshll.u32 s7, $0x1;
	s4 =	sadd.s32 s5, s19  }
0x9d: {  	s8 =	simm.s32 $0x0;
	s20 =	sshll.u32 s6, $0x1;
	s6 =	sadd.s32 s21, s4  }
0x9e: {  	[timem:s8], [sflag:s22] =	dma.local [hbm:s6], s20  }
0x9f: {  	_ =	swait.ge [sflag:s22], s20  }
0xa0: {  	s5 =	ssub.s32 $0x0, s20;
	[sflag:s22] =	ssyncset.done $0x0  }
0xa1: {  	[sflag:s22] =	ssyncadd.s32 s5;
	_ =	sdelay $0x1  }
0xa2: {  	s23 =	simm.s32 $0x1B8B  }
0xa3: {  	_ =	swait.ge [sflag:s23], $0x1  }
0xa4: {  	[sflag:s23] =	ssyncset.done $0x0  }
0xa5: {  	s25 =	simm.s32 $0x1B8E;
	s24 =	sld [smem:$0x3FFE];
	[sflag:s23] =	ssyncadd.s32 $0xFFFFFFFF  }
0xa6: {  	s26 =	simm.s32 $execute0_lowered;
	[smem:$0x3FD2] =	sst s25  }
0xa7: {  	s6 =	sshll.u32 s26, $0x1;
	_ =	strace $0x80000046;
	[dreg:$0x1] =	wrdreg $0xFFFFFFFF  }
0xa8: {  	s28 =	simm.s32 $_size_execute0_lowered;
	s4 =	sadd.s32 s4, s6;
	[dreg:$0x0] =	wrdreg $0x0  }
0xa9: {  	s6 =	sshll.u32 s28, $0x1;
	[dreg:$0x2] =	wrdreg s4  }
0xaa: {  	[dreg:$0x3] =	wrdreg s6  }
0xab: {  	[dreg:$0x4] =	wrdreg $0xC0  }
0xac: {  	_ =	task [dreg:s8], $0x5FFFF  }
0xad: {  	[dreg:$0x1] =	wrdreg $0xFFFFFFFF  }
0xae: {  	[dreg:$0x0] =	wrdreg $0x60  }
0xaf: {  	[dreg:$0x2] =	wrdreg s2  }
0xb0: {  	[dreg:$0x3] =	wrdreg s18  }
0xb1: {  	[dreg:$0x4] =	wrdreg s24  }
0xb2: {  	[dreg:$0x5] =	wrdreg $0x0  }
0xb3: {  	[dreg:$0x6] =	wrdreg $0x9  }
0xb4: {  	_ =	task.clear_ibuf [dreg:s8], $0x7FFFF;
	_ =	strace $0x90000046  }
0xb5: {  	s29 =	simm.s32 $0x9;
	_ =	strace $0x80000048  }
0xb6: {  	_ =	swait.ge [sflag:s29], $0x1  }
0xb7: {  	[sflag:s29] =	ssyncadd.s32 $0xFFFFFFFF  }
0xb8: {  	_ =	strace $0x90000048  }
0xb9: {  	_ =	sfence  }
0xba: {  	s30 =	sld [smem:$0x0];
	_ =	sdelay $0x2  }
0xbb: {  	s31 =	sshll.u32 s1, $0xD;
	s1 =	sshrl.u32 s1, $0x2  }
0xbc: {  	s3 =	sand.u32 $0x4000, s31;
	s1 =	sadd.s32 s1, s30  }
0xbd: {  	s0 =	sor.u32 s3, s0;
	s1 =	sshll.u32 s1, $0x11  }
0xbe: {  	s0 =	sor.u32 s1, s0  }
0xbf: {  	s0 =	sadd.s32 $0x8F2B, s0  }
0xc0: {  	[sflag:s0] =	ssyncadd.remote.s32 $0x1  }
0xc1: {  	_ =	sfence.sel $0xFFFF  }
0xc2: {  	[dreg:$0x0] =	wrdreg $0xFFFFFFFF;
	(pc) =	sbr.abs _section_cstart, $3  }
0xc3: {  	[dreg:$0x1] =	wrdreg $0xFFFFFFFF  }
0xc4: {  	_ =	task.clear_ibuf [dreg:s8], $0x2FFFF;
	_ =	strace $0x9FFFFFFF  }
0xc5: {  	(tm) =	ssettm $0x7FFFFFFF  }
tec
execute0_lowered:
.L_overlay_start_1:
0x0: {  	(tag) =	ssettag $0x1  }
0x1: {  	s0 =	rddreg [dreg:$0x0]  }
0x2: {  	s1 =	rddreg [dreg:$0x1]  }
0x3: {  	s2 =	srdreg.scid;
	s5 =	rddreg [dreg:$0x2]  }
0x4: {  	s10 =	stileid.u32;
	s3 =	rddreg [dreg:$0x3];
	s4 =	simm.s32 $0x0  }
0x5: {  	s21 =	simm.s32 $0x13C00;
	s22 =	simm.s32 $0x3;
	s7 =	smul.u32 $0x13C00, s10  }
0x6: {  	s29 =	simm.s32 $0x1BF00;
	s30 =	simm.s32 $0x1;
	s9 =	smul.u32 $0x4F000, s10  }
0x7: {  	s31 =	simm.s32 $0x2;
	s2 =	sand.u32 $0x1, s2;
	s16 =	smul.u32 $0xA000, s10  }
0x8: {  	s8 =	sshll.u32 s10, $0x1;
	[smem:$0x7FF] =	sst s4;
	s6 =	smul.u32 $0x13C000, s2  }
0x9: {  	s8 =	sor.u32 s2, s8;
	s24 =	ssub.s32 $0x2, s2;
	s2 =	smul.u32 $0x5000, s2  }
0xa: {  	_ =	strace $0x80000047;
	s23 =	smul.u32 $0x5000, s8;
	s25 =	sshrl.u32 s24, $0x1  }
0xb: {  	s28 =	sshrl.u32 s9, $0x2;
	s6 =	sadd.s32 s7, s6;
	s19 =	ssub.s32 s24, s25  }
0xc: {  	s8 =	sadd.s32 s28, s3;
	s2 =	sadd.s32 s2, s16;
	s25 =	simm.s32 $0x7D  }
0xd: {  	s6 =	sshrl.u32 s6, $0x3;
	s7 =	sshrl.u32 s23, $0x3;
	s9 =	sadd.s32 $0x2000, s8  }
0xe: {  	s10 =	sadd.s32 $0x4000, s8;
	s11 =	sadd.s32 $0x6000, s8;
	s12 =	sadd.s32 $0x8000, s8  }
0xf: {  	s13 =	sadd.s32 $0xA000, s8;
	s14 =	sadd.s32 $0xC000, s8;
	s15 =	sadd.s32 $0xE000, s8  }
.Ltmp0:
0x10: {  	s16 =	sadd.s32 $0x10000, s8;
	s17 =	sadd.s32 $0x12000, s8;
	(pc) =	sbr.rel .LBB2_1-.Ltmp0, $4  }
0x11: {  	s2 =	sor.u32 $0x300, s2;
	s19 =	smax.u32 s19, $0x1;
	s23 =	simm.s32 $0x13D00  }
0x12: {  	s18 =	sadd.s32 s6, s5;
	s5 =	sadd.s32 s1, s7;
	s2 =	sshrl.u32 s2, $0x3  }
0x13: {  	s26 =	sadd.s32 $0x20, s5;
	s7 =	sadd.s32 $0x40, s5;
	s18 =	sadd.s32 $0xA00, s18  }
0x14: {  	v0 =	vimm.f32 $0.0e+00;
	s1 =	sadd.s32 s2, s1;
	s2 =	simm.s32 $0x0;
	[dreg:$0x5] =	wrdreg s26  }
.LBB2_9:
0x15: {  	s6 =	stileid.u32;
	s2 =	sadd.s32 $0x1, s2  }
0x16: {  	[bflag:$0x0] =	sbarrier.arrive $0xFFFF;
	s6 =	sshll.u32 s6, $0x6;
	p0 =	sne.s32 s2, s19  }
.Ltmp1:
0x17: {  	s20 =	sshrl.u32 s8, $0x3;
	s6 =	sor.u32 $0x1C03, s6;
	(pc) =	sbr.rel @!p0 .LBB2_10-.Ltmp1, $4  }
0x18: {  	[hbm:s18], [sflag:s6] =	dma.local [spmem:s20], $0x2780  }
0x19: {  	_ =	swait.ge [sflag:s22], $0x2780  }
0x1a: {  	[sflag:s22] =	ssyncset.done $0x0  }
0x1b: {  	[sflag:s22] =	ssyncadd.s32 $0xFFFFD880  }
.LBB2_1:
0x1c: {  	[tilespmem:s21], [sflag:$0x3] =	stream.linear.gather [hbm4b:s5+s4], $0x100, $0x38;
	[tilespmem:$0x1FF00] =	vst v63  }
0x1d: {  	_ =	swait.ge [sflag:s22], $0x100  }
0x1e: {  	[sflag:s22] =	ssyncset.done $0x0  }
0x1f: {  	s6 =	rddreg [dreg:$0x5];
	[sflag:s22] =	ssyncadd.s32 $0xFFFFFF00  }
0x20: {  	[tilespmem:s23], [sflag:$0x3] =	stream.linear.gather [hbm4b:s6+s4], $0x100, $0x38;
	[tilespmem:$0x1FF00] =	vst v63  }
0x21: {  	_ =	swait.ge [sflag:s22], $0x100  }
0x22: {  	[sflag:s22] =	ssyncset.done $0x0  }
0x23: {  	s24 =	simm.s32 $0x13E00;
	[sflag:s22] =	ssyncadd.s32 $0xFFFFFF00  }
0x24: {  	[tilespmem:s24], [sflag:$0x3] =	stream.linear.gather [hbm4b:s7+s4], $0x100, $0x38;
	[tilespmem:$0x1FF00] =	vst v63  }
0x25: {  	_ =	swait.ge [sflag:s22], $0x100  }
0x26: {  	[sflag:s22] =	ssyncset.done $0x0  }
0x27: {  	s26 =	simm.s32 $0x13F00;
	s20 =	sand.u32 $0x7E00, s4;
	[sflag:s22] =	ssyncadd.s32 $0xFFFFFF00  }
0x28: {  	[tilespmem:s26], [sflag:$0x1] =	stream.indirect.gather [hbm4b:s0+s25], $0x80, s21, s25, $0xb8;
	[tilespmem:$0x1FF00] =	vst v63  }
0x29: {  	s28 =	simm.s32 $0x17F00;
	s24 =	sand.u32 $0x70, s4;
	s26 =	sshrl.u32 s20, $0x2  }
0x2a: {  	s20 =	simm.s32 $0x40;
	s26 =	sor.u32 s24, s26;
	s24 =	simm.s32 $0x0  }
0x2b: {  	[tilespmem:s28], [sflag:$0x1] =	stream.indirect.gather [hbm4b:s0+s25], $0x80, s23, s25, $0xb8;
	[tilespmem:$0x1FF00] =	vst v63  }
.LBB2_2:
0x2c: {  	p0 =	sne.s32 s20, $0x7FC0  }
0x2d: {  	[tilespmem:s26+$0x1BF00] =	vst v0;
	s24 =	sadd.s32 $0x10, s24;
	s26 =	smov.u32 s20;
	s20 =	sadd.s32 $0x40, s20  }
.Ltmp2:
0x2e: {  	(pc) =	sbr.rel @p0 .LBB2_2-.Ltmp2, $4  }
0x2f: {  	_ = 	snop  }
0x30: {  	s26 =	sand.u32 $0x7E00, s26  }
0x31: {  	s28 =	sand.u32 $0x70, s24;
	s26 =	sshrl.u32 s26, $0x2  }
0x32: {  	s26 =	sor.u32 s28, s26  }
0x33: {  	[tilespmem:s26+$0x1BF00] =	vst v0  }
0x34: {  	[spmem:s8] =	stream.linear.scatter [tilespmem:s29], [sflag:$0x3], $0x2000, $0x38;
	[tilespmem:$0x1FF00] =	vst v63  }
0x35: {  	_ =	swait.ge [sflag:s22], $0x2000  }
0x36: {  	[sflag:s22] =	ssyncset.done $0x0  }
0x37: {  	[sflag:s22] =	ssyncadd.s32 $0xFFFFE000  }
0x38: {  	[spmem:s9] =	stream.linear.scatter [tilespmem:s29], [sflag:$0x3], $0x2000, $0x38;
	[tilespmem:$0x1FF00] =	vst v63  }
0x39: {  	_ =	swait.ge [sflag:s22], $0x2000  }
0x3a: {  	[sflag:s22] =	ssyncset.done $0x0  }
0x3b: {  	[sflag:s22] =	ssyncadd.s32 $0xFFFFE000  }
0x3c: {  	[spmem:s10] =	stream.linear.scatter [tilespmem:s29], [sflag:$0x3], $0x2000, $0x38;
	[tilespmem:$0x1FF00] =	vst v63  }
0x3d: {  	_ =	swait.ge [sflag:s22], $0x2000  }
0x3e: {  	[sflag:s22] =	ssyncset.done $0x0  }
0x3f: {  	[sflag:s22] =	ssyncadd.s32 $0xFFFFE000  }
0x40: {  	[spmem:s11] =	stream.linear.scatter [tilespmem:s29], [sflag:$0x3], $0x2000, $0x38;
	[tilespmem:$0x1FF00] =	vst v63  }
0x41: {  	_ =	swait.ge [sflag:s22], $0x2000  }
0x42: {  	[sflag:s22] =	ssyncset.done $0x0  }
0x43: {  	[sflag:s22] =	ssyncadd.s32 $0xFFFFE000  }
0x44: {  	[spmem:s12] =	stream.linear.scatter [tilespmem:s29], [sflag:$0x3], $0x2000, $0x38;
	[tilespmem:$0x1FF00] =	vst v63  }
0x45: {  	_ =	swait.ge [sflag:s22], $0x2000  }
0x46: {  	[sflag:s22] =	ssyncset.done $0x0  }
0x47: {  	[sflag:s22] =	ssyncadd.s32 $0xFFFFE000  }
0x48: {  	[spmem:s13] =	stream.linear.scatter [tilespmem:s29], [sflag:$0x3], $0x2000, $0x38;
	[tilespmem:$0x1FF00] =	vst v63  }
0x49: {  	_ =	swait.ge [sflag:s22], $0x2000  }
0x4a: {  	[sflag:s22] =	ssyncset.done $0x0  }
0x4b: {  	[sflag:s22] =	ssyncadd.s32 $0xFFFFE000  }
0x4c: {  	[spmem:s14] =	stream.linear.scatter [tilespmem:s29], [sflag:$0x3], $0x2000, $0x38;
	[tilespmem:$0x1FF00] =	vst v63  }
0x4d: {  	_ =	swait.ge [sflag:s22], $0x2000  }
0x4e: {  	[sflag:s22] =	ssyncset.done $0x0  }
0x4f: {  	[sflag:s22] =	ssyncadd.s32 $0xFFFFE000  }
0x50: {  	[spmem:s15] =	stream.linear.scatter [tilespmem:s29], [sflag:$0x3], $0x2000, $0x38;
	[tilespmem:$0x1FF00] =	vst v63  }
0x51: {  	_ =	swait.ge [sflag:s22], $0x2000  }
0x52: {  	[sflag:s22] =	ssyncset.done $0x0  }
0x53: {  	[sflag:s22] =	ssyncadd.s32 $0xFFFFE000  }
0x54: {  	[spmem:s16] =	stream.linear.scatter [tilespmem:s29], [sflag:$0x3], $0x2000, $0x38;
	[tilespmem:$0x1FF00] =	vst v63  }
0x55: {  	_ =	swait.ge [sflag:s22], $0x2000  }
0x56: {  	[sflag:s22] =	ssyncset.done $0x0  }
0x57: {  	[sflag:s22] =	ssyncadd.s32 $0xFFFFE000  }
0x58: {  	[spmem:s17] =	stream.linear.scatter [tilespmem:s29], [sflag:$0x3], $0x1C00, $0x38;
	[tilespmem:$0x1FF00] =	vst v63  }
.Ltmp3:
0x59: {  	_ =	swait.ge [sflag:s22], $0x1C00;
	(pc) =	sbr.rel .LBB2_4-.Ltmp3, $4  }
0x5a: {  	[sflag:s22] =	ssyncset.done $0x0  }
0x5b: {  	[sflag:s22] =	ssyncadd.s32 $0xFFFFE400  }
0x5c: {  	[bflag:$0x0] =	sbarrier.arrive $0xFFFF  }
0x5d: {  	s24 =	simm.s32 $0xFFFFFFFF;
	s20 =	smov.u32 s1  }
.LBB2_5:
0x5e: {  	_ =	swait.ge [sflag:s31], $0x100  }
0x5f: {  	[sflag:s31] =	ssyncset.done $0x0  }
0x60: {  	[sflag:s31] =	ssyncadd.s32 $0xFFFFFF00  }
.LBB2_7:
0x61: {  	s26 =	sadd.s32 $0x2, s24  }
0x62: {  	s28 =	sand.u32 $0xFF, s26  }
0x63: {  	s28 =	smul.u32 $0xAB, s28;
	_ =	sdelay $0x1  }
0x64: {  	s28 =	sshrl.u32 s28, $0x9  }
0x65: {  	s28 =	smul.u32 $0x3, s28;
	_ =	sdelay $0x1  }
0x66: {  	s26 =	ssub.s32 s26, s28  }
0x67: {  	s26 =	sand.u32 $0xFF, s26  }
0x68: {  	s6 =	sshll.u32 s26, $0xE;
	s26 =	sshll.u32 s26, $0x8  }
0x69: {  	s28 =	sor.u32 $0x13F00, s6;
	s26 =	sor.u32 $0x13C00, s26  }
0x6a: {  	[tilespmem:s28], [sflag:$0x1] =	stream.indirect.gather [hbm4b:s0+s25], $0x80, s26, s25, $0xb8;
	[tilespmem:$0x1FF00] =	vst v63  }
.LBB2_8:
0x6b: {  	s26 =	smul.u32 $0xAB, s24;
	_ =	sdelay $0x1  }
0x6c: {  	s26 =	sshrl.u32 s26, $0x9  }
0x6d: {  	s26 =	sand.u32 $0x7F, s26  }
0x6e: {  	s26 =	smul.u32 $0x3, s26;
	_ =	sdelay $0x1  }
0x6f: {  	s26 =	ssub.s32 s24, s26  }
0x70: {  	s26 =	sand.u32 $0xFF, s26  }
0x71: {  	s28 =	sshll.u32 s26, $0xE;
	s26 =	sshll.u32 s26, $0x8  }
0x72: {  	s28 =	sor.u32 $0x13F00, s28;
	s6 =	sadd.s32 $0x13C80, s26  }
0x73: {  	[spmem:s3] =	stream.indirect.scatter.add.f32 [tilespmem:s28], [sflag:$0x3], $0x80, s6, s25, $0xb8;
	[tilespmem:$0x1FF00] =	vst v63  }
0x74: {  	_ =	swait.ge [sflag:s22], $0x3E80  }
0x75: {  	p0 =	sgt.u32 s24, $0x4C;
	[sflag:s22] =	ssyncset.done $0x0  }
0x76: {  	s6 =	sadd.s32 $0x13C00, s26;
	s26 =	simm.s32 @!p0 $0x0;
	[sflag:s22] =	ssyncadd.s32 $0xFFFFC180  }
0x77: {  	[tilespmem:s6], [sflag:$0x2] =	stream.linear.gather @!p0 [hbm4b:s20+s26], $0x100, $0x38;
	[tilespmem:$0x1FF00] =	vst v63  }
0x78: {  	p0 =	sne.s32 s24, $0x4F  }
.Ltmp4:
0x79: {  	_ = 	snop;
	(pc) =	sbr.rel @!p0 .LBB2_9-.Ltmp4, $2  }
0x7a: {  	_ =	sdelay $0x2  }
0x7b: {  	s20 =	sadd.s32 $0x20, s20  }
.LBB2_4:
0x7c: {  	p0 =	sgt.u32 s24, $0x4C  }
.Ltmp5:
0x7d: {  	_ = 	snop;
	(pc) =	sbr.rel @!p0 .LBB2_5-.Ltmp5, $4  }
0x7e: {  	_ = 	snop  }
0x7f: {  	_ =	swait.ge [sflag:s30], $0x3E80  }
0x80: {  	[sflag:s30] =	ssyncset.done $0x0  }
0x81: {  	s24 =	sadd.s32 $0x1, s24;
	[sflag:s30] =	ssyncadd.s32 $0xFFFFC180  }
0x82: {  	p0 =	sgt.u32 s24, $0x4D  }
.Ltmp6:
0x83: {  	_ = 	snop;
	(pc) =	sbr.rel @p0 .LBB2_8-.Ltmp6, $4  }
.Ltmp7:
0x84: {  	_ = 	snop;
	(pc) =	sbr.rel @!p0 .LBB2_7-.Ltmp7, $4  }
0x85: {  	_ = 	snop  }
0x86: {  	_ = 	snop  }
0x87: {  	_ = 	snop  }
0x88: {  	_ = 	snop  }
.LBB2_10:
0x89: {  	_ =	sfence.sel $0x180000  }
0x8a: {  	[bflag:$0x0] =	sbarrier.arrive $0xFFFF  }
0x8b: {  	_ =	strace $0x90000047  }
0x8c: {  	s0 =	stileid.u32;
	[bflag:$0x2] =	sbarrier.arrive $0xFFFF  }
0x8d: {  	p0 =	sne.s32 s0, $0x0;
	s0 =	rddreg [dreg:$0x4]  }
0x8e: {  	s0 =	sadd.s32 @!p0 $0x100000, s0  }
0x8f: {  	[sflag:s0] =	ssyncadd.tile.s32 @!p0 $0x1;
	_ =	shalt  }
.Lfunc_end2:
_tile_overlayer_lowered:
.L_overlay_start_2:
0x90: {  	(tag) =	ssettag $0x2  }
0x91: {  	s0 =	rddreg [dreg:$0x0];
	s2 =	stileid.u32  }
0x92: {  	s1 =	rddreg [dreg:$0x1];
	p0 =	sne.s32 s2, $0x0  }
0x93: {  	s3 =	rddreg [dreg:$0x2];
	[bflag:$0x3] =	sbarrier.arrive $0xFFFF;
	s2 =	simm.s32 @!p0 $0x1C03  }
0x94: {  	[timem:s3], [sflag:s2] =	dma.local @!p0 [hbm:s0], s1  }
0x95: {  	s0 =	simm.s32 @!p0 $0x3  }
0x96: {  	_ =	swait.ge @!p0 [sflag:s0], s1  }
0x97: {  	s1 =	ssub.s32 @!p0 $0x0, s1;
	[sflag:s0] =	ssyncset.done @!p0 $0x0  }
0x98: {  	[sflag:s0] =	ssyncadd.s32 @!p0 s1  }
0x99: {  	[bflag:$0x3] =	sbarrier.arrive $0xFFFF  }
0x9a: {  	_ =	shalt  }

</sc_bundles>
